<compile_context>
chip_gen: v7x
topology: tpu7x:2x2x1
jax: 0.10.2.dev20260603
libtpu: 0.0.44.dev20260713+nightly
codegen_flags: <defaults>
</compile_context>

<pallas_src>
import functools

import jax
import jax.numpy as jnp
from jax import lax
from jax.experimental import pallas as pl
from jax.experimental.pallas import tpu as pltpu
from jax.experimental.pallas import tpu_sc as plsc

N_NODES = 100000
N_EDGES = 3200000

NC = 2
NS = 16
L = 16

RW = 128
CHUNK_ROWS = 16
ROWS = N_EDGES // RW
ROWS_PER_W = ((ROWS + NC * NS - 1) // (NC * NS) + CHUNK_ROWS - 1) \
    // CHUNK_ROWS * CHUNK_ROWS
ROWS_PAD = ROWS_PER_W * NC * NS
NCHUNKS = ROWS_PER_W // CHUNK_ROWS

NPAD = 100352
PERT = NPAD // NS


def _sqrt16(x):
    i = plsc.bitcast(x, jnp.int32)
    y = plsc.bitcast((i >> 1) + jnp.int32(0x1FBD1DF5), jnp.float32)
    y = 0.5 * (y + x / y)
    y = 0.5 * (y + x / y)
    y = 0.5 * (y + x / y)
    return y


@functools.partial(
    pl.kernel,
    out_type=(
        jax.ShapeDtypeStruct((NC, NPAD), jnp.float32),
        jax.ShapeDtypeStruct((NC, NPAD), jnp.float32),
    ),
    mesh=plsc.VectorSubcoreMesh(core_axis_name="c", subcore_axis_name="s"),
    compiler_params=pltpu.CompilerParams(needs_layout_passes=False),
    scratch_types=[
        pltpu.VMEM((N_NODES,), jnp.float32),
        pltpu.VMEM((CHUNK_ROWS, RW), jnp.int32),
        pltpu.VMEM((CHUNK_ROWS, RW), jnp.int32),
        pltpu.VMEM((CHUNK_ROWS, RW), jnp.float32),
        pltpu.VMEM((CHUNK_ROWS, RW), jnp.float32),
        pltpu.VMEM((CHUNK_ROWS, RW), jnp.float32),
        pltpu.VMEM_SHARED((NPAD,), jnp.float32),
        pltpu.VMEM_SHARED((NPAD,), jnp.float32),
    ],
)
def _sc_scatter(sig_hbm, src_hbm, dst_hbm, attr_hbm, zeros_hbm,
                num_out, den_out,
                sigb, srcb, dstb, attrb, msgb, wb, num_sh, den_sh):
    cid = lax.axis_index("c")
    sid = lax.axis_index("s")
    wid = cid * NS + sid

    nslice = pl.ds(sid * PERT, PERT)
    pltpu.sync_copy(zeros_hbm.at[nslice], num_sh.at[nslice])
    pltpu.sync_copy(zeros_hbm.at[nslice], den_sh.at[nslice])
    pltpu.sync_copy(sig_hbm, sigb)
    plsc.subcore_barrier()

    row0 = wid * ROWS_PER_W

    def chunk_body(c, _):
        r0 = row0 + c * CHUNK_ROWS
        pltpu.sync_copy(src_hbm.at[pl.ds(r0, CHUNK_ROWS)], srcb)
        pltpu.sync_copy(dst_hbm.at[pl.ds(r0, CHUNK_ROWS)], dstb)
        pltpu.sync_copy(attr_hbm.at[pl.ds(r0, CHUNK_ROWS)], attrb)

        def row_body(j, _):
            for g in range(RW // L):
                sl = pl.ds(g * L, L)
                si = srcb[j, sl]
                di = dstb[j, sl]
                a = attrb[j, sl]
                xs = plsc.load_gather(sigb, [si])
                xd = plsc.load_gather(sigb, [di])
                w = _sqrt16(a)
                msgb[j, sl] = w * jnp.sign(xs - xd)
                wb[j, sl] = w
            return 0

        lax.fori_loop(0, CHUNK_ROWS, row_body, 0)

        def scat_body(j, _):
            pltpu.sync_copy(msgb.at[j], num_sh.at[dstb.at[j]], add=True)
            pltpu.sync_copy(wb.at[j], den_sh.at[dstb.at[j]], add=True)
            return 0

        lax.fori_loop(0, CHUNK_ROWS, scat_body, 0)
        return 0

    lax.fori_loop(0, NCHUNKS, chunk_body, 0)
    plsc.subcore_barrier()

    pltpu.sync_copy(num_sh.at[nslice], num_out.at[cid, nslice])
    pltpu.sync_copy(den_sh.at[nslice], den_out.at[cid, nslice])


def _combine(num_ref, den_ref, out_ref):
    num = num_ref[0] + num_ref[1]
    den = den_ref[0] + den_ref[1]
    out_ref[...] = num / den


def kernel(signal, edge_index, edge_attr):
    sig = signal.reshape(-1).astype(jnp.float32)
    src = edge_index[0].astype(jnp.int32)
    dst = edge_index[1].astype(jnp.int32)
    attr = edge_attr.reshape(-1).astype(jnp.float32)

    pad_e = ROWS_PAD * RW - N_EDGES
    src = jnp.concatenate([src, jnp.zeros((pad_e,), jnp.int32)])
    dst = jnp.concatenate([dst, jnp.full((pad_e,), N_NODES, jnp.int32)])
    attr = jnp.concatenate([attr, jnp.zeros((pad_e,), jnp.float32)])

    src2 = src.reshape(ROWS_PAD, RW)
    dst2 = dst.reshape(ROWS_PAD, RW)
    attr2 = attr.reshape(ROWS_PAD, RW)
    zeros = jnp.zeros((NPAD,), jnp.float32)

    num_parts, den_parts = _sc_scatter(sig, src2, dst2, attr2, zeros)

    out = pl.pallas_call(
        _combine,
        out_shape=jax.ShapeDtypeStruct((NPAD // RW, RW), jnp.float32),
    )(num_parts.reshape(NC, NPAD // RW, RW),
      den_parts.reshape(NC, NPAD // RW, RW))

    return out.reshape(NPAD)[:N_NODES].reshape(N_NODES, 1)

# --- scband reference (transcript-rebuilt; emitter-appended) ---
"""Pipeline reference for scband-ope-82961588289680 (READ-ONLY COPY).

The authoritative reference and input builder live on the scoring server;
editing this copy changes nothing except your own understanding.
"""

import jax, jax.numpy as jnp
import numpy as np

N_NODES = 100000
N_EDGES = 3200000

def setup_inputs(seed: int = 0) -> dict:
    key = jax.random.key(seed)
    k1, k2, k3 = jax.random.split(key, 3)
    signal = jax.random.normal(k1, (N_NODES, 1), dtype=jnp.float32)
    edge_index = jax.random.randint(k2, (2, N_EDGES), 0, N_NODES, dtype=jnp.int64)
    edge_attr = jax.random.uniform(k3, (N_EDGES, 1), dtype=jnp.float32)
    return {"signal": signal, "edge_index": edge_index, "edge_attr": edge_attr}

def reference(signal, edge_index, edge_attr):
    # PyG convention (flow='source_to_target'): x_j = x[edge_index[0]] (source),
    # x_i = x[edge_index[1]] (target); aggr='add' scatter-adds messages to edge_index[1].
    src = edge_index[0]
    dst = edge_index[1]
    w = jnp.sqrt(edge_attr)  # [E, 1]
    x_j = jnp.take(signal, src, axis=0)  # [E, 1]
    x_i = jnp.take(signal, dst, axis=0)  # [E, 1]
    msg_num = w * jnp.sign(x_j - x_i)    # Numerator.message
    num = jax.ops.segment_sum(msg_num, dst, num_segments=signal.shape[0])
    den = jax.ops.segment_sum(w, dst, num_segments=signal.shape[0])
    return num / den

if __name__ == "__main__":
    import jax
    _d = setup_inputs()
    print(jax.jit(kernel)(*tuple(_d.values())))

</pallas_src>

<mosaic_0001>
#map = affine_map<(d0, d1) -> (0)>
#map1 = affine_map<(d0, d1) -> (0, 0)>
module attributes {stable_mosaic.version = 14 : i64} {
  func.func @_sc_scatter(%arg0: i32, %arg1: i32, %arg2: memref<100000xf32, #tpu.memory_space<hbm>>, %arg3: memref<25088x128xi32, #tpu.memory_space<hbm>>, %arg4: memref<25088x128xi32, #tpu.memory_space<hbm>>, %arg5: memref<25088x128xf32, #tpu.memory_space<hbm>>, %arg6: memref<100352xf32, #tpu.memory_space<hbm>>, %arg7: memref<2x100352xf32, #tpu.memory_space<hbm>>, %arg8: memref<2x100352xf32, #tpu.memory_space<hbm>>, %arg9: memref<100000xf32, #tpu.memory_space<vmem>>, %arg10: memref<16x128xi32, #tpu.memory_space<vmem>>, %arg11: memref<16x128xi32, #tpu.memory_space<vmem>>, %arg12: memref<16x128xf32, #tpu.memory_space<vmem>>, %arg13: memref<16x128xf32, #tpu.memory_space<vmem>>, %arg14: memref<16x128xf32, #tpu.memory_space<vmem>>, %arg15: memref<100352xf32, #tpu.memory_space<vmem_shared>>, %arg16: memref<100352xf32, #tpu.memory_space<vmem_shared>>) attributes {dimension_semantics = [#tpu.dimension_semantics<core_parallel>, #tpu.dimension_semantics<subcore_parallel>], iteration_bounds = array<i64: 2, 16>, scalar_prefetch = 0 : i64, scratch_operands = 8 : i64, tpu.core_type = #tpu.core_type<sc_vector_subcore>, window_params = [{transform_indices = #map}, {transform_indices = #map1}, {transform_indices = #map1}, {transform_indices = #map1}, {transform_indices = #map}, {transform_indices = #map1}, {transform_indices = #map1}]} {
    %mul3A = arith.constant 16 : i32
    %mul3A_0 = arith.muli %arg0, %mul3A : i32
    %add3A = arith.addi %mul3A_0, %arg1 : i32
    %mul3A_1 = arith.constant 6272 : i32
    %mul3A_2 = arith.muli %arg1, %mul3A_1 : i32
    "tpu.region"() ({
      %run_scoped3A = tpu.sem_alloc : memref<!tpu.dma_semaphore, #tpu.memory_space<semaphore_mem>>
      %dma_start3A = tpu.memref_slice %arg15[%mul3A_2] : memref<100352xf32, #tpu.memory_space<vmem_shared>> -> memref<6272xf32, #tpu.memory_space<vmem_shared>>
      %dma_start3A_12 = tpu.memref_slice %arg6[%mul3A_2] : memref<100352xf32, #tpu.memory_space<hbm>> -> memref<6272xf32, #tpu.memory_space<hbm>>
      tpu.enqueue_dma source(%dma_start3A_12 : memref<6272xf32, #tpu.memory_space<hbm>>) target(%dma_start3A : memref<6272xf32, #tpu.memory_space<vmem_shared>>) target_semaphore(%run_scoped3A : memref<!tpu.dma_semaphore, #tpu.memory_space<semaphore_mem>>)
      %dma_wait3A = tpu.memref_slice %arg15[%mul3A_2] : memref<100352xf32, #tpu.memory_space<vmem_shared>> -> memref<6272xf32, #tpu.memory_space<vmem_shared>>
      %dma_wait3A_13 = tpu.memref_slice %arg6[%mul3A_2] : memref<100352xf32, #tpu.memory_space<hbm>> -> memref<6272xf32, #tpu.memory_space<hbm>>
      tpu.wait_dma2 semaphore(%run_scoped3A : memref<!tpu.dma_semaphore, #tpu.memory_space<semaphore_mem>>) src(%dma_wait3A_13 : memref<6272xf32, #tpu.memory_space<hbm>>) dst(%dma_wait3A : memref<6272xf32, #tpu.memory_space<vmem_shared>>)
      tpu.yield
    }) : () -> ()
    "tpu.region"() ({
      %run_scoped3A = tpu.sem_alloc : memref<!tpu.dma_semaphore, #tpu.memory_space<semaphore_mem>>
      %dma_start3A = tpu.memref_slice %arg16[%mul3A_2] : memref<100352xf32, #tpu.memory_space<vmem_shared>> -> memref<6272xf32, #tpu.memory_space<vmem_shared>>
      %dma_start3A_12 = tpu.memref_slice %arg6[%mul3A_2] : memref<100352xf32, #tpu.memory_space<hbm>> -> memref<6272xf32, #tpu.memory_space<hbm>>
      tpu.enqueue_dma source(%dma_start3A_12 : memref<6272xf32, #tpu.memory_space<hbm>>) target(%dma_start3A : memref<6272xf32, #tpu.memory_space<vmem_shared>>) target_semaphore(%run_scoped3A : memref<!tpu.dma_semaphore, #tpu.memory_space<semaphore_mem>>)
      %dma_wait3A = tpu.memref_slice %arg16[%mul3A_2] : memref<100352xf32, #tpu.memory_space<vmem_shared>> -> memref<6272xf32, #tpu.memory_space<vmem_shared>>
      %dma_wait3A_13 = tpu.memref_slice %arg6[%mul3A_2] : memref<100352xf32, #tpu.memory_space<hbm>> -> memref<6272xf32, #tpu.memory_space<hbm>>
      tpu.wait_dma2 semaphore(%run_scoped3A : memref<!tpu.dma_semaphore, #tpu.memory_space<semaphore_mem>>) src(%dma_wait3A_13 : memref<6272xf32, #tpu.memory_space<hbm>>) dst(%dma_wait3A : memref<6272xf32, #tpu.memory_space<vmem_shared>>)
      tpu.yield
    }) : () -> ()
    "tpu.region"() ({
      %run_scoped3A = tpu.sem_alloc : memref<!tpu.dma_semaphore, #tpu.memory_space<semaphore_mem>>
      tpu.enqueue_dma source(%arg2 : memref<100000xf32, #tpu.memory_space<hbm>>) target(%arg9 : memref<100000xf32, #tpu.memory_space<vmem>>) target_semaphore(%run_scoped3A : memref<!tpu.dma_semaphore, #tpu.memory_space<semaphore_mem>>)
      tpu.wait_dma2 semaphore(%run_scoped3A : memref<!tpu.dma_semaphore, #tpu.memory_space<semaphore_mem>>) src(%arg2 : memref<100000xf32, #tpu.memory_space<hbm>>) dst(%arg9 : memref<100000xf32, #tpu.memory_space<vmem>>)
      tpu.yield
    }) : () -> ()
    %barrier3A = arith.constant 0 : index
    tpu.barrier barrier_id(%barrier3A)
    %mul3A_3 = arith.constant 784 : i32
    %mul3A_4 = arith.muli %add3A, %mul3A_3 : i32
    %scan3A = arith.constant 0 : i32
    %scan3A_5 = arith.constant 0 : i32
    %scan3A_6 = arith.constant 49 : i32
    %scan3A_7 = arith.addi %scan3A_5, %scan3A_6 : i32
    %scan3A_8 = arith.constant 1 : i32
    %scan3A_9 = scf.for %scan3A_12 = %scan3A_5 to %scan3A_7 step %scan3A_8 iter_args(%scan3A_13 = %scan3A) -> (i32)  : i32 {
      %mul3A_14 = arith.constant 16 : i32
      %mul3A_15 = arith.muli %scan3A_12, %mul3A_14 : i32
      %add3A_16 = arith.addi %mul3A_4, %mul3A_15 : i32
      "tpu.region"() ({
        %run_scoped3A = tpu.sem_alloc : memref<!tpu.dma_semaphore, #tpu.memory_space<semaphore_mem>>
        %dma_start3A = arith.constant 0 : i32
        %dma_start3A_32 = tpu.memref_slice %arg3[%add3A_16, %dma_start3A] : memref<25088x128xi32, #tpu.memory_space<hbm>> -> memref<16x128xi32, #tpu.memory_space<hbm>>
        %dma_start3A_33 = arith.constant 0 : i32
        %dma_start3A_34 = tpu.memref_slice %arg3[%add3A_16, %dma_start3A_33] : memref<25088x128xi32, #tpu.memory_space<hbm>> -> memref<16x128xi32, #tpu.memory_space<hbm>>
        tpu.enqueue_dma source(%dma_start3A_34 : memref<16x128xi32, #tpu.memory_space<hbm>>) target(%arg10 : memref<16x128xi32, #tpu.memory_space<vmem>>) target_semaphore(%run_scoped3A : memref<!tpu.dma_semaphore, #tpu.memory_space<semaphore_mem>>)
        %dma_wait3A = arith.constant 0 : i32
        %dma_wait3A_35 = tpu.memref_slice %arg3[%add3A_16, %dma_wait3A] : memref<25088x128xi32, #tpu.memory_space<hbm>> -> memref<16x128xi32, #tpu.memory_space<hbm>>
        %dma_wait3A_36 = arith.constant 0 : i32
        %dma_wait3A_37 = tpu.memref_slice %arg3[%add3A_16, %dma_wait3A_36] : memref<25088x128xi32, #tpu.memory_space<hbm>> -> memref<16x128xi32, #tpu.memory_space<hbm>>
        tpu.wait_dma2 semaphore(%run_scoped3A : memref<!tpu.dma_semaphore, #tpu.memory_space<semaphore_mem>>) src(%dma_wait3A_37 : memref<16x128xi32, #tpu.memory_space<hbm>>) dst(%arg10 : memref<16x128xi32, #tpu.memory_space<vmem>>)
        tpu.yield
      }) : () -> ()
      "tpu.region"() ({
        %run_scoped3A = tpu.sem_alloc : memref<!tpu.dma_semaphore, #tpu.memory_space<semaphore_mem>>
        %dma_start3A = arith.constant 0 : i32
        %dma_start3A_32 = tpu.memref_slice %arg4[%add3A_16, %dma_start3A] : memref<25088x128xi32, #tpu.memory_space<hbm>> -> memref<16x128xi32, #tpu.memory_space<hbm>>
        %dma_start3A_33 = arith.constant 0 : i32
        %dma_start3A_34 = tpu.memref_slice %arg4[%add3A_16, %dma_start3A_33] : memref<25088x128xi32, #tpu.memory_space<hbm>> -> memref<16x128xi32, #tpu.memory_space<hbm>>
        tpu.enqueue_dma source(%dma_start3A_34 : memref<16x128xi32, #tpu.memory_space<hbm>>) target(%arg11 : memref<16x128xi32, #tpu.memory_space<vmem>>) target_semaphore(%run_scoped3A : memref<!tpu.dma_semaphore, #tpu.memory_space<semaphore_mem>>)
        %dma_wait3A = arith.constant 0 : i32
        %dma_wait3A_35 = tpu.memref_slice %arg4[%add3A_16, %dma_wait3A] : memref<25088x128xi32, #tpu.memory_space<hbm>> -> memref<16x128xi32, #tpu.memory_space<hbm>>
        %dma_wait3A_36 = arith.constant 0 : i32
        %dma_wait3A_37 = tpu.memref_slice %arg4[%add3A_16, %dma_wait3A_36] : memref<25088x128xi32, #tpu.memory_space<hbm>> -> memref<16x128xi32, #tpu.memory_space<hbm>>
        tpu.wait_dma2 semaphore(%run_scoped3A : memref<!tpu.dma_semaphore, #tpu.memory_space<semaphore_mem>>) src(%dma_wait3A_37 : memref<16x128xi32, #tpu.memory_space<hbm>>) dst(%arg11 : memref<16x128xi32, #tpu.memory_space<vmem>>)
        tpu.yield
      }) : () -> ()
      "tpu.region"() ({
        %run_scoped3A = tpu.sem_alloc : memref<!tpu.dma_semaphore, #tpu.memory_space<semaphore_mem>>
        %dma_start3A = arith.constant 0 : i32
        %dma_start3A_32 = tpu.memref_slice %arg5[%add3A_16, %dma_start3A] : memref<25088x128xf32, #tpu.memory_space<hbm>> -> memref<16x128xf32, #tpu.memory_space<hbm>>
        %dma_start3A_33 = arith.constant 0 : i32
        %dma_start3A_34 = tpu.memref_slice %arg5[%add3A_16, %dma_start3A_33] : memref<25088x128xf32, #tpu.memory_space<hbm>> -> memref<16x128xf32, #tpu.memory_space<hbm>>
        tpu.enqueue_dma source(%dma_start3A_34 : memref<16x128xf32, #tpu.memory_space<hbm>>) target(%arg12 : memref<16x128xf32, #tpu.memory_space<vmem>>) target_semaphore(%run_scoped3A : memref<!tpu.dma_semaphore, #tpu.memory_space<semaphore_mem>>)
        %dma_wait3A = arith.constant 0 : i32
        %dma_wait3A_35 = tpu.memref_slice %arg5[%add3A_16, %dma_wait3A] : memref<25088x128xf32, #tpu.memory_space<hbm>> -> memref<16x128xf32, #tpu.memory_space<hbm>>
        %dma_wait3A_36 = arith.constant 0 : i32
        %dma_wait3A_37 = tpu.memref_slice %arg5[%add3A_16, %dma_wait3A_36] : memref<25088x128xf32, #tpu.memory_space<hbm>> -> memref<16x128xf32, #tpu.memory_space<hbm>>
        tpu.wait_dma2 semaphore(%run_scoped3A : memref<!tpu.dma_semaphore, #tpu.memory_space<semaphore_mem>>) src(%dma_wait3A_37 : memref<16x128xf32, #tpu.memory_space<hbm>>) dst(%arg12 : memref<16x128xf32, #tpu.memory_space<vmem>>)
        tpu.yield
      }) : () -> ()
      %scan3A_17 = arith.constant 0 : i32
      %scan3A_18 = arith.constant 0 : i32
      %scan3A_19 = arith.constant 16 : i32
      %scan3A_20 = arith.addi %scan3A_18, %scan3A_19 : i32
      %scan3A_21 = arith.constant 1 : i32
      %scan3A_22 = scf.for %scan3A_32 = %scan3A_18 to %scan3A_20 step %scan3A_21 iter_args(%scan3A_33 = %scan3A_17) -> (i32)  : i32 {
        %get3A = arith.index_cast %scan3A_32 : i32 to index
        %get3A_34 = arith.constant 0 : index
        %get3A_35 = tpu.vector_load %arg10[%get3A, %get3A_34] {strides = array<i32>} : memref<16x128xi32, #tpu.memory_space<vmem>>, vector<16xi32>,
        %get3A_36 = arith.index_cast %scan3A_32 : i32 to index
        %get3A_37 = arith.constant 0 : index
        %get3A_38 = tpu.vector_load %arg11[%get3A_36, %get3A_37] {strides = array<i32>} : memref<16x128xi32, #tpu.memory_space<vmem>>, vector<16xi32>,
        %get3A_39 = arith.index_cast %scan3A_32 : i32 to index
        %get3A_40 = arith.constant 0 : index
        %get3A_41 = tpu.vector_load %arg12[%get3A_39, %get3A_40] {strides = array<i32>} : memref<16x128xf32, #tpu.memory_space<vmem>>, vector<16xf32>,
        %gather3A = tpu.vector_load_idx %arg9[%get3A_35] : memref<100000xf32, #tpu.memory_space<vmem>>[vector<16xi32>], vector<16xf32>,
        %gather3A_42 = tpu.vector_load_idx %arg9[%get3A_38] : memref<100000xf32, #tpu.memory_space<vmem>>[vector<16xi32>], vector<16xf32>,
        %bitcast3A = vector.bitcast %get3A_41 : vector<16xf32> to vector<16xi32>
        %shift_right_arithmetic3A = arith.constant 1 : i32
        %shift_right_arithmetic3A_43 = vector.broadcast %shift_right_arithmetic3A : i32 to vector<16xi32>
        %shift_right_arithmetic3A_44 = arith.shrsi %bitcast3A, %shift_right_arithmetic3A_43 : vector<16xi32>
        %add3A_45 = arith.constant 532487669 : i32
        %add3A_46 = vector.broadcast %add3A_45 : i32 to vector<16xi32>
        %add3A_47 = arith.addi %shift_right_arithmetic3A_44, %add3A_46 : vector<16xi32>
        %bitcast3A_48 = vector.bitcast %add3A_47 : vector<16xi32> to vector<16xf32>
        %div3A = arith.divf %get3A_41, %bitcast3A_48 : vector<16xf32>
        %add3A_49 = arith.addf %bitcast3A_48, %div3A : vector<16xf32>
        %mul3A_50 = arith.constant 5.000000e-01 : f32
        %mul3A_51 = vector.broadcast %mul3A_50 : f32 to vector<16xf32>
        %mul3A_52 = arith.mulf %mul3A_51, %add3A_49 : vector<16xf32>
        %div3A_53 = arith.divf %get3A_41, %mul3A_52 : vector<16xf32>
        %add3A_54 = arith.addf %mul3A_52, %div3A_53 : vector<16xf32>
        %mul3A_55 = arith.constant 5.000000e-01 : f32
        %mul3A_56 = vector.broadcast %mul3A_55 : f32 to vector<16xf32>
        %mul3A_57 = arith.mulf %mul3A_56, %add3A_54 : vector<16xf32>
        %div3A_58 = arith.divf %get3A_41, %mul3A_57 : vector<16xf32>
        %add3A_59 = arith.addf %mul3A_57, %div3A_58 : vector<16xf32>
        %mul3A_60 = arith.constant 5.000000e-01 : f32
        %mul3A_61 = vector.broadcast %mul3A_60 : f32 to vector<16xf32>
        %mul3A_62 = arith.mulf %mul3A_61, %add3A_59 : vector<16xf32>
        %sub3A = arith.subf %gather3A, %gather3A_42 : vector<16xf32>
        %sign3A = tpu.bitcast %sub3A : vector<16xf32> -> vector<16xi32>
        %sign3A_63 = arith.constant -2147483648 : i32
        %sign3A_64 = vector.broadcast %sign3A_63 : i32 to vector<16xi32>
        %sign3A_65 = arith.andi %sign3A, %sign3A_64 : vector<16xi32>
        %sign3A_66 = arith.constant 1065353216 : i32
        %sign3A_67 = vector.broadcast %sign3A_66 : i32 to vector<16xi32>
        %sign3A_68 = arith.ori %sign3A_67, %sign3A_65 : vector<16xi32>
        %sign3A_69 = tpu.bitcast %sign3A_68 : vector<16xi32> -> vector<16xf32>
        %sign3A_70 = math.absf %sub3A : vector<16xf32>
        %sign3A_71 = arith.constant 0.000000e+00 : f32
        %sign3A_72 = vector.broadcast %sign3A_71 : f32 to vector<16xf32>
        %sign3A_73 = arith.cmpf ogt, %sign3A_70, %sign3A_72 : vector<16xf32>
        %sign3A_74 = arith.select %sign3A_73, %sign3A_69, %sub3A : vector<16xi1>, vector<16xf32>
        %mul3A_75 = arith.mulf %mul3A_62, %sign3A_74 : vector<16xf32>
        %swap3A = arith.index_cast %scan3A_32 : i32 to index
        %swap3A_76 = arith.constant 0 : index
        %swap3A_77 = tpu.vector_load %arg13[%swap3A, %swap3A_76] {strides = array<i32>} : memref<16x128xf32, #tpu.memory_space<vmem>>, vector<16xf32>,
        tpu.vector_store %arg13[%swap3A, %swap3A_76], %mul3A_75 {strides = array<i32>} : memref<16x128xf32, #tpu.memory_space<vmem>>, vector<16xf32>,
        %swap3A_78 = arith.index_cast %scan3A_32 : i32 to index
        %swap3A_79 = arith.constant 0 : index
        %swap3A_80 = tpu.vector_load %arg14[%swap3A_78, %swap3A_79] {strides = array<i32>} : memref<16x128xf32, #tpu.memory_space<vmem>>, vector<16xf32>,
        tpu.vector_store %arg14[%swap3A_78, %swap3A_79], %mul3A_62 {strides = array<i32>} : memref<16x128xf32, #tpu.memory_space<vmem>>, vector<16xf32>,
        %get3A_81 = arith.index_cast %scan3A_32 : i32 to index
        %get3A_82 = arith.constant 16 : index
        %get3A_83 = tpu.vector_load %arg10[%get3A_81, %get3A_82] {strides = array<i32>} : memref<16x128xi32, #tpu.memory_space<vmem>>, vector<16xi32>,
        %get3A_84 = arith.index_cast %scan3A_32 : i32 to index
        %get3A_85 = arith.constant 16 : index
        %get3A_86 = tpu.vector_load %arg11[%get3A_84, %get3A_85] {strides = array<i32>} : memref<16x128xi32, #tpu.memory_space<vmem>>, vector<16xi32>,
        %get3A_87 = arith.index_cast %scan3A_32 : i32 to index
        %get3A_88 = arith.constant 16 : index
        %get3A_89 = tpu.vector_load %arg12[%get3A_87, %get3A_88] {strides = array<i32>} : memref<16x128xf32, #tpu.memory_space<vmem>>, vector<16xf32>,
        %gather3A_90 = tpu.vector_load_idx %arg9[%get3A_83] : memref<100000xf32, #tpu.memory_space<vmem>>[vector<16xi32>], vector<16xf32>,
        %gather3A_91 = tpu.vector_load_idx %arg9[%get3A_86] : memref<100000xf32, #tpu.memory_space<vmem>>[vector<16xi32>], vector<16xf32>,
        %bitcast3A_92 = vector.bitcast %get3A_89 : vector<16xf32> to vector<16xi32>
        %shift_right_arithmetic3A_93 = arith.constant 1 : i32
        %shift_right_arithmetic3A_94 = vector.broadcast %shift_right_arithmetic3A_93 : i32 to vector<16xi32>
        %shift_right_arithmetic3A_95 = arith.shrsi %bitcast3A_92, %shift_right_arithmetic3A_94 : vector<16xi32>
        %add3A_96 = arith.constant 532487669 : i32
        %add3A_97 = vector.broadcast %add3A_96 : i32 to vector<16xi32>
        %add3A_98 = arith.addi %shift_right_arithmetic3A_95, %add3A_97 : vector<16xi32>
        %bitcast3A_99 = vector.bitcast %add3A_98 : vector<16xi32> to vector<16xf32>
        %div3A_100 = arith.divf %get3A_89, %bitcast3A_99 : vector<16xf32>
        %add3A_101 = arith.addf %bitcast3A_99, %div3A_100 : vector<16xf32>
        %mul3A_102 = arith.constant 5.000000e-01 : f32
        %mul3A_103 = vector.broadcast %mul3A_102 : f32 to vector<16xf32>
        %mul3A_104 = arith.mulf %mul3A_103, %add3A_101 : vector<16xf32>
        %div3A_105 = arith.divf %get3A_89, %mul3A_104 : vector<16xf32>
        %add3A_106 = arith.addf %mul3A_104, %div3A_105 : vector<16xf32>
        %mul3A_107 = arith.constant 5.000000e-01 : f32
        %mul3A_108 = vector.broadcast %mul3A_107 : f32 to vector<16xf32>
        %mul3A_109 = arith.mulf %mul3A_108, %add3A_106 : vector<16xf32>
        %div3A_110 = arith.divf %get3A_89, %mul3A_109 : vector<16xf32>
        %add3A_111 = arith.addf %mul3A_109, %div3A_110 : vector<16xf32>
        %mul3A_112 = arith.constant 5.000000e-01 : f32
        %mul3A_113 = vector.broadcast %mul3A_112 : f32 to vector<16xf32>
        %mul3A_114 = arith.mulf %mul3A_113, %add3A_111 : vector<16xf32>
        %sub3A_115 = arith.subf %gather3A_90, %gather3A_91 : vector<16xf32>
        %sign3A_116 = tpu.bitcast %sub3A_115 : vector<16xf32> -> vector<16xi32>
        %sign3A_117 = arith.constant -2147483648 : i32
        %sign3A_118 = vector.broadcast %sign3A_117 : i32 to vector<16xi32>
        %sign3A_119 = arith.andi %sign3A_116, %sign3A_118 : vector<16xi32>
        %sign3A_120 = arith.constant 1065353216 : i32
        %sign3A_121 = vector.broadcast %sign3A_120 : i32 to vector<16xi32>
        %sign3A_122 = arith.ori %sign3A_121, %sign3A_119 : vector<16xi32>
        %sign3A_123 = tpu.bitcast %sign3A_122 : vector<16xi32> -> vector<16xf32>
        %sign3A_124 = math.absf %sub3A_115 : vector<16xf32>
        %sign3A_125 = arith.constant 0.000000e+00 : f32
        %sign3A_126 = vector.broadcast %sign3A_125 : f32 to vector<16xf32>
        %sign3A_127 = arith.cmpf ogt, %sign3A_124, %sign3A_126 : vector<16xf32>
        %sign3A_128 = arith.select %sign3A_127, %sign3A_123, %sub3A_115 : vector<16xi1>, vector<16xf32>
        %mul3A_129 = arith.mulf %mul3A_114, %sign3A_128 : vector<16xf32>
        %swap3A_130 = arith.index_cast %scan3A_32 : i32 to index
        %swap3A_131 = arith.constant 16 : index
        %swap3A_132 = tpu.vector_load %arg13[%swap3A_130, %swap3A_131] {strides = array<i32>} : memref<16x128xf32, #tpu.memory_space<vmem>>, vector<16xf32>,
        tpu.vector_store %arg13[%swap3A_130, %swap3A_131], %mul3A_129 {strides = array<i32>} : memref<16x128xf32, #tpu.memory_space<vmem>>, vector<16xf32>,
        %swap3A_133 = arith.index_cast %scan3A_32 : i32 to index
        %swap3A_134 = arith.constant 16 : index
        %swap3A_135 = tpu.vector_load %arg14[%swap3A_133, %swap3A_134] {strides = array<i32>} : memref<16x128xf32, #tpu.memory_space<vmem>>, vector<16xf32>,
        tpu.vector_store %arg14[%swap3A_133, %swap3A_134], %mul3A_114 {strides = array<i32>} : memref<16x128xf32, #tpu.memory_space<vmem>>, vector<16xf32>,
        %get3A_136 = arith.index_cast %scan3A_32 : i32 to index
        %get3A_137 = arith.constant 32 : index
        %get3A_138 = tpu.vector_load %arg10[%get3A_136, %get3A_137] {strides = array<i32>} : memref<16x128xi32, #tpu.memory_space<vmem>>, vector<16xi32>,
        %get3A_139 = arith.index_cast %scan3A_32 : i32 to index
        %get3A_140 = arith.constant 32 : index
        %get3A_141 = tpu.vector_load %arg11[%get3A_139, %get3A_140] {strides = array<i32>} : memref<16x128xi32, #tpu.memory_space<vmem>>, vector<16xi32>,
        %get3A_142 = arith.index_cast %scan3A_32 : i32 to index
        %get3A_143 = arith.constant 32 : index
        %get3A_144 = tpu.vector_load %arg12[%get3A_142, %get3A_143] {strides = array<i32>} : memref<16x128xf32, #tpu.memory_space<vmem>>, vector<16xf32>,
        %gather3A_145 = tpu.vector_load_idx %arg9[%get3A_138] : memref<100000xf32, #tpu.memory_space<vmem>>[vector<16xi32>], vector<16xf32>,
        %gather3A_146 = tpu.vector_load_idx %arg9[%get3A_141] : memref<100000xf32, #tpu.memory_space<vmem>>[vector<16xi32>], vector<16xf32>,
        %bitcast3A_147 = vector.bitcast %get3A_144 : vector<16xf32> to vector<16xi32>
        %shift_right_arithmetic3A_148 = arith.constant 1 : i32
        %shift_right_arithmetic3A_149 = vector.broadcast %shift_right_arithmetic3A_148 : i32 to vector<16xi32>
        %shift_right_arithmetic3A_150 = arith.shrsi %bitcast3A_147, %shift_right_arithmetic3A_149 : vector<16xi32>
        %add3A_151 = arith.constant 532487669 : i32
        %add3A_152 = vector.broadcast %add3A_151 : i32 to vector<16xi32>
        %add3A_153 = arith.addi %shift_right_arithmetic3A_150, %add3A_152 : vector<16xi32>
        %bitcast3A_154 = vector.bitcast %add3A_153 : vector<16xi32> to vector<16xf32>
        %div3A_155 = arith.divf %get3A_144, %bitcast3A_154 : vector<16xf32>
        %add3A_156 = arith.addf %bitcast3A_154, %div3A_155 : vector<16xf32>
        %mul3A_157 = arith.constant 5.000000e-01 : f32
        %mul3A_158 = vector.broadcast %mul3A_157 : f32 to vector<16xf32>
        %mul3A_159 = arith.mulf %mul3A_158, %add3A_156 : vector<16xf32>
        %div3A_160 = arith.divf %get3A_144, %mul3A_159 : vector<16xf32>
        %add3A_161 = arith.addf %mul3A_159, %div3A_160 : vector<16xf32>
        %mul3A_162 = arith.constant 5.000000e-01 : f32
        %mul3A_163 = vector.broadcast %mul3A_162 : f32 to vector<16xf32>
        %mul3A_164 = arith.mulf %mul3A_163, %add3A_161 : vector<16xf32>
        %div3A_165 = arith.divf %get3A_144, %mul3A_164 : vector<16xf32>
        %add3A_166 = arith.addf %mul3A_164, %div3A_165 : vector<16xf32>
        %mul3A_167 = arith.constant 5.000000e-01 : f32
        %mul3A_168 = vector.broadcast %mul3A_167 : f32 to vector<16xf32>
        %mul3A_169 = arith.mulf %mul3A_168, %add3A_166 : vector<16xf32>
        %sub3A_170 = arith.subf %gather3A_145, %gather3A_146 : vector<16xf32>
        %sign3A_171 = tpu.bitcast %sub3A_170 : vector<16xf32> -> vector<16xi32>
        %sign3A_172 = arith.constant -2147483648 : i32
        %sign3A_173 = vector.broadcast %sign3A_172 : i32 to vector<16xi32>
        %sign3A_174 = arith.andi %sign3A_171, %sign3A_173 : vector<16xi32>
        %sign3A_175 = arith.constant 1065353216 : i32
        %sign3A_176 = vector.broadcast %sign3A_175 : i32 to vector<16xi32>
        %sign3A_177 = arith.ori %sign3A_176, %sign3A_174 : vector<16xi32>
        %sign3A_178 = tpu.bitcast %sign3A_177 : vector<16xi32> -> vector<16xf32>
        %sign3A_179 = math.absf %sub3A_170 : vector<16xf32>
        %sign3A_180 = arith.constant 0.000000e+00 : f32
        %sign3A_181 = vector.broadcast %sign3A_180 : f32 to vector<16xf32>
        %sign3A_182 = arith.cmpf ogt, %sign3A_179, %sign3A_181 : vector<16xf32>
        %sign3A_183 = arith.select %sign3A_182, %sign3A_178, %sub3A_170 : vector<16xi1>, vector<16xf32>
        %mul3A_184 = arith.mulf %mul3A_169, %sign3A_183 : vector<16xf32>
        %swap3A_185 = arith.index_cast %scan3A_32 : i32 to index
        %swap3A_186 = arith.constant 32 : index
        %swap3A_187 = tpu.vector_load %arg13[%swap3A_185, %swap3A_186] {strides = array<i32>} : memref<16x128xf32, #tpu.memory_space<vmem>>, vector<16xf32>,
        tpu.vector_store %arg13[%swap3A_185, %swap3A_186], %mul3A_184 {strides = array<i32>} : memref<16x128xf32, #tpu.memory_space<vmem>>, vector<16xf32>,
        %swap3A_188 = arith.index_cast %scan3A_32 : i32 to index
        %swap3A_189 = arith.constant 32 : index
        %swap3A_190 = tpu.vector_load %arg14[%swap3A_188, %swap3A_189] {strides = array<i32>} : memref<16x128xf32, #tpu.memory_space<vmem>>, vector<16xf32>,
        tpu.vector_store %arg14[%swap3A_188, %swap3A_189], %mul3A_169 {strides = array<i32>} : memref<16x128xf32, #tpu.memory_space<vmem>>, vector<16xf32>,
        %get3A_191 = arith.index_cast %scan3A_32 : i32 to index
        %get3A_192 = arith.constant 48 : index
        %get3A_193 = tpu.vector_load %arg10[%get3A_191, %get3A_192] {strides = array<i32>} : memref<16x128xi32, #tpu.memory_space<vmem>>, vector<16xi32>,
        %get3A_194 = arith.index_cast %scan3A_32 : i32 to index
        %get3A_195 = arith.constant 48 : index
        %get3A_196 = tpu.vector_load %arg11[%get3A_194, %get3A_195] {strides = array<i32>} : memref<16x128xi32, #tpu.memory_space<vmem>>, vector<16xi32>,
        %get3A_197 = arith.index_cast %scan3A_32 : i32 to index
        %get3A_198 = arith.constant 48 : index
        %get3A_199 = tpu.vector_load %arg12[%get3A_197, %get3A_198] {strides = array<i32>} : memref<16x128xf32, #tpu.memory_space<vmem>>, vector<16xf32>,
        %gather3A_200 = tpu.vector_load_idx %arg9[%get3A_193] : memref<100000xf32, #tpu.memory_space<vmem>>[vector<16xi32>], vector<16xf32>,
        %gather3A_201 = tpu.vector_load_idx %arg9[%get3A_196] : memref<100000xf32, #tpu.memory_space<vmem>>[vector<16xi32>], vector<16xf32>,
        %bitcast3A_202 = vector.bitcast %get3A_199 : vector<16xf32> to vector<16xi32>
        %shift_right_arithmetic3A_203 = arith.constant 1 : i32
        %shift_right_arithmetic3A_204 = vector.broadcast %shift_right_arithmetic3A_203 : i32 to vector<16xi32>
        %shift_right_arithmetic3A_205 = arith.shrsi %bitcast3A_202, %shift_right_arithmetic3A_204 : vector<16xi32>
        %add3A_206 = arith.constant 532487669 : i32
        %add3A_207 = vector.broadcast %add3A_206 : i32 to vector<16xi32>
        %add3A_208 = arith.addi %shift_right_arithmetic3A_205, %add3A_207 : vector<16xi32>
        %bitcast3A_209 = vector.bitcast %add3A_208 : vector<16xi32> to vector<16xf32>
        %div3A_210 = arith.divf %get3A_199, %bitcast3A_209 : vector<16xf32>
        %add3A_211 = arith.addf %bitcast3A_209, %div3A_210 : vector<16xf32>
        %mul3A_212 = arith.constant 5.000000e-01 : f32
        %mul3A_213 = vector.broadcast %mul3A_212 : f32 to vector<16xf32>
        %mul3A_214 = arith.mulf %mul3A_213, %add3A_211 : vector<16xf32>
        %div3A_215 = arith.divf %get3A_199, %mul3A_214 : vector<16xf32>
        %add3A_216 = arith.addf %mul3A_214, %div3A_215 : vector<16xf32>
        %mul3A_217 = arith.constant 5.000000e-01 : f32
        %mul3A_218 = vector.broadcast %mul3A_217 : f32 to vector<16xf32>
        %mul3A_219 = arith.mulf %mul3A_218, %add3A_216 : vector<16xf32>
        %div3A_220 = arith.divf %get3A_199, %mul3A_219 : vector<16xf32>
        %add3A_221 = arith.addf %mul3A_219, %div3A_220 : vector<16xf32>
        %mul3A_222 = arith.constant 5.000000e-01 : f32
        %mul3A_223 = vector.broadcast %mul3A_222 : f32 to vector<16xf32>
        %mul3A_224 = arith.mulf %mul3A_223, %add3A_221 : vector<16xf32>
        %sub3A_225 = arith.subf %gather3A_200, %gather3A_201 : vector<16xf32>
        %sign3A_226 = tpu.bitcast %sub3A_225 : vector<16xf32> -> vector<16xi32>
        %sign3A_227 = arith.constant -2147483648 : i32
        %sign3A_228 = vector.broadcast %sign3A_227 : i32 to vector<16xi32>
        %sign3A_229 = arith.andi %sign3A_226, %sign3A_228 : vector<16xi32>
        %sign3A_230 = arith.constant 1065353216 : i32
        %sign3A_231 = vector.broadcast %sign3A_230 : i32 to vector<16xi32>
        %sign3A_232 = arith.ori %sign3A_231, %sign3A_229 : vector<16xi32>
        %sign3A_233 = tpu.bitcast %sign3A_232 : vector<16xi32> -> vector<16xf32>
        %sign3A_234 = math.absf %sub3A_225 : vector<16xf32>
        %sign3A_235 = arith.constant 0.000000e+00 : f32
        %sign3A_236 = vector.broadcast %sign3A_235 : f32 to vector<16xf32>
        %sign3A_237 = arith.cmpf ogt, %sign3A_234, %sign3A_236 : vector<16xf32>
        %sign3A_238 = arith.select %sign3A_237, %sign3A_233, %sub3A_225 : vector<16xi1>, vector<16xf32>
        %mul3A_239 = arith.mulf %mul3A_224, %sign3A_238 : vector<16xf32>
        %swap3A_240 = arith.index_cast %scan3A_32 : i32 to index
        %swap3A_241 = arith.constant 48 : index
        %swap3A_242 = tpu.vector_load %arg13[%swap3A_240, %swap3A_241] {strides = array<i32>} : memref<16x128xf32, #tpu.memory_space<vmem>>, vector<16xf32>,
        tpu.vector_store %arg13[%swap3A_240, %swap3A_241], %mul3A_239 {strides = array<i32>} : memref<16x128xf32, #tpu.memory_space<vmem>>, vector<16xf32>,
        %swap3A_243 = arith.index_cast %scan3A_32 : i32 to index
        %swap3A_244 = arith.constant 48 : index
        %swap3A_245 = tpu.vector_load %arg14[%swap3A_243, %swap3A_244] {strides = array<i32>} : memref<16x128xf32, #tpu.memory_space<vmem>>, vector<16xf32>,
        tpu.vector_store %arg14[%swap3A_243, %swap3A_244], %mul3A_224 {strides = array<i32>} : memref<16x128xf32, #tpu.memory_space<vmem>>, vector<16xf32>,
        %get3A_246 = arith.index_cast %scan3A_32 : i32 to index
        %get3A_247 = arith.constant 64 : index
        %get3A_248 = tpu.vector_load %arg10[%get3A_246, %get3A_247] {strides = array<i32>} : memref<16x128xi32, #tpu.memory_space<vmem>>, vector<16xi32>,
        %get3A_249 = arith.index_cast %scan3A_32 : i32 to index
        %get3A_250 = arith.constant 64 : index
        %get3A_251 = tpu.vector_load %arg11[%get3A_249, %get3A_250] {strides = array<i32>} : memref<16x128xi32, #tpu.memory_space<vmem>>, vector<16xi32>,
        %get3A_252 = arith.index_cast %scan3A_32 : i32 to index
        %get3A_253 = arith.constant 64 : index
        %get3A_254 = tpu.vector_load %arg12[%get3A_252, %get3A_253] {strides = array<i32>} : memref<16x128xf32, #tpu.memory_space<vmem>>, vector<16xf32>,
        %gather3A_255 = tpu.vector_load_idx %arg9[%get3A_248] : memref<100000xf32, #tpu.memory_space<vmem>>[vector<16xi32>], vector<16xf32>,
        %gather3A_256 = tpu.vector_load_idx %arg9[%get3A_251] : memref<100000xf32, #tpu.memory_space<vmem>>[vector<16xi32>], vector<16xf32>,
        %bitcast3A_257 = vector.bitcast %get3A_254 : vector<16xf32> to vector<16xi32>
        %shift_right_arithmetic3A_258 = arith.constant 1 : i32
        %shift_right_arithmetic3A_259 = vector.broadcast %shift_right_arithmetic3A_258 : i32 to vector<16xi32>
        %shift_right_arithmetic3A_260 = arith.shrsi %bitcast3A_257, %shift_right_arithmetic3A_259 : vector<16xi32>
        %add3A_261 = arith.constant 532487669 : i32
        %add3A_262 = vector.broadcast %add3A_261 : i32 to vector<16xi32>
        %add3A_263 = arith.addi %shift_right_arithmetic3A_260, %add3A_262 : vector<16xi32>
        %bitcast3A_264 = vector.bitcast %add3A_263 : vector<16xi32> to vector<16xf32>
        %div3A_265 = arith.divf %get3A_254, %bitcast3A_264 : vector<16xf32>
        %add3A_266 = arith.addf %bitcast3A_264, %div3A_265 : vector<16xf32>
        %mul3A_267 = arith.constant 5.000000e-01 : f32
        %mul3A_268 = vector.broadcast %mul3A_267 : f32 to vector<16xf32>
        %mul3A_269 = arith.mulf %mul3A_268, %add3A_266 : vector<16xf32>
        %div3A_270 = arith.divf %get3A_254, %mul3A_269 : vector<16xf32>
        %add3A_271 = arith.addf %mul3A_269, %div3A_270 : vector<16xf32>
        %mul3A_272 = arith.constant 5.000000e-01 : f32
        %mul3A_273 = vector.broadcast %mul3A_272 : f32 to vector<16xf32>
        %mul3A_274 = arith.mulf %mul3A_273, %add3A_271 : vector<16xf32>
        %div3A_275 = arith.divf %get3A_254, %mul3A_274 : vector<16xf32>
        %add3A_276 = arith.addf %mul3A_274, %div3A_275 : vector<16xf32>
        %mul3A_277 = arith.constant 5.000000e-01 : f32
        %mul3A_278 = vector.broadcast %mul3A_277 : f32 to vector<16xf32>
        %mul3A_279 = arith.mulf %mul3A_278, %add3A_276 : vector<16xf32>
        %sub3A_280 = arith.subf %gather3A_255, %gather3A_256 : vector<16xf32>
        %sign3A_281 = tpu.bitcast %sub3A_280 : vector<16xf32> -> vector<16xi32>
        %sign3A_282 = arith.constant -2147483648 : i32
        %sign3A_283 = vector.broadcast %sign3A_282 : i32 to vector<16xi32>
        %sign3A_284 = arith.andi %sign3A_281, %sign3A_283 : vector<16xi32>
        %sign3A_285 = arith.constant 1065353216 : i32
        %sign3A_286 = vector.broadcast %sign3A_285 : i32 to vector<16xi32>
        %sign3A_287 = arith.ori %sign3A_286, %sign3A_284 : vector<16xi32>
        %sign3A_288 = tpu.bitcast %sign3A_287 : vector<16xi32> -> vector<16xf32>
        %sign3A_289 = math.absf %sub3A_280 : vector<16xf32>
        %sign3A_290 = arith.constant 0.000000e+00 : f32
        %sign3A_291 = vector.broadcast %sign3A_290 : f32 to vector<16xf32>
        %sign3A_292 = arith.cmpf ogt, %sign3A_289, %sign3A_291 : vector<16xf32>
        %sign3A_293 = arith.select %sign3A_292, %sign3A_288, %sub3A_280 : vector<16xi1>, vector<16xf32>
        %mul3A_294 = arith.mulf %mul3A_279, %sign3A_293 : vector<16xf32>
        %swap3A_295 = arith.index_cast %scan3A_32 : i32 to index
        %swap3A_296 = arith.constant 64 : index
        %swap3A_297 = tpu.vector_load %arg13[%swap3A_295, %swap3A_296] {strides = array<i32>} : memref<16x128xf32, #tpu.memory_space<vmem>>, vector<16xf32>,
        tpu.vector_store %arg13[%swap3A_295, %swap3A_296], %mul3A_294 {strides = array<i32>} : memref<16x128xf32, #tpu.memory_space<vmem>>, vector<16xf32>,
        %swap3A_298 = arith.index_cast %scan3A_32 : i32 to index
        %swap3A_299 = arith.constant 64 : index
        %swap3A_300 = tpu.vector_load %arg14[%swap3A_298, %swap3A_299] {strides = array<i32>} : memref<16x128xf32, #tpu.memory_space<vmem>>, vector<16xf32>,
        tpu.vector_store %arg14[%swap3A_298, %swap3A_299], %mul3A_279 {strides = array<i32>} : memref<16x128xf32, #tpu.memory_space<vmem>>, vector<16xf32>,
        %get3A_301 = arith.index_cast %scan3A_32 : i32 to index
        %get3A_302 = arith.constant 80 : index
        %get3A_303 = tpu.vector_load %arg10[%get3A_301, %get3A_302] {strides = array<i32>} : memref<16x128xi32, #tpu.memory_space<vmem>>, vector<16xi32>,
        %get3A_304 = arith.index_cast %scan3A_32 : i32 to index
        %get3A_305 = arith.constant 80 : index
        %get3A_306 = tpu.vector_load %arg11[%get3A_304, %get3A_305] {strides = array<i32>} : memref<16x128xi32, #tpu.memory_space<vmem>>, vector<16xi32>,
        %get3A_307 = arith.index_cast %scan3A_32 : i32 to index
        %get3A_308 = arith.constant 80 : index
        %get3A_309 = tpu.vector_load %arg12[%get3A_307, %get3A_308] {strides = array<i32>} : memref<16x128xf32, #tpu.memory_space<vmem>>, vector<16xf32>,
        %gather3A_310 = tpu.vector_load_idx %arg9[%get3A_303] : memref<100000xf32, #tpu.memory_space<vmem>>[vector<16xi32>], vector<16xf32>,
        %gather3A_311 = tpu.vector_load_idx %arg9[%get3A_306] : memref<100000xf32, #tpu.memory_space<vmem>>[vector<16xi32>], vector<16xf32>,
        %bitcast3A_312 = vector.bitcast %get3A_309 : vector<16xf32> to vector<16xi32>
        %shift_right_arithmetic3A_313 = arith.constant 1 : i32
        %shift_right_arithmetic3A_314 = vector.broadcast %shift_right_arithmetic3A_313 : i32 to vector<16xi32>
        %shift_right_arithmetic3A_315 = arith.shrsi %bitcast3A_312, %shift_right_arithmetic3A_314 : vector<16xi32>
        %add3A_316 = arith.constant 532487669 : i32
        %add3A_317 = vector.broadcast %add3A_316 : i32 to vector<16xi32>
        %add3A_318 = arith.addi %shift_right_arithmetic3A_315, %add3A_317 : vector<16xi32>
        %bitcast3A_319 = vector.bitcast %add3A_318 : vector<16xi32> to vector<16xf32>
        %div3A_320 = arith.divf %get3A_309, %bitcast3A_319 : vector<16xf32>
        %add3A_321 = arith.addf %bitcast3A_319, %div3A_320 : vector<16xf32>
        %mul3A_322 = arith.constant 5.000000e-01 : f32
        %mul3A_323 = vector.broadcast %mul3A_322 : f32 to vector<16xf32>
        %mul3A_324 = arith.mulf %mul3A_323, %add3A_321 : vector<16xf32>
        %div3A_325 = arith.divf %get3A_309, %mul3A_324 : vector<16xf32>
        %add3A_326 = arith.addf %mul3A_324, %div3A_325 : vector<16xf32>
        %mul3A_327 = arith.constant 5.000000e-01 : f32
        %mul3A_328 = vector.broadcast %mul3A_327 : f32 to vector<16xf32>
        %mul3A_329 = arith.mulf %mul3A_328, %add3A_326 : vector<16xf32>
        %div3A_330 = arith.divf %get3A_309, %mul3A_329 : vector<16xf32>
        %add3A_331 = arith.addf %mul3A_329, %div3A_330 : vector<16xf32>
        %mul3A_332 = arith.constant 5.000000e-01 : f32
        %mul3A_333 = vector.broadcast %mul3A_332 : f32 to vector<16xf32>
        %mul3A_334 = arith.mulf %mul3A_333, %add3A_331 : vector<16xf32>
        %sub3A_335 = arith.subf %gather3A_310, %gather3A_311 : vector<16xf32>
        %sign3A_336 = tpu.bitcast %sub3A_335 : vector<16xf32> -> vector<16xi32>
        %sign3A_337 = arith.constant -2147483648 : i32
        %sign3A_338 = vector.broadcast %sign3A_337 : i32 to vector<16xi32>
        %sign3A_339 = arith.andi %sign3A_336, %sign3A_338 : vector<16xi32>
        %sign3A_340 = arith.constant 1065353216 : i32
        %sign3A_341 = vector.broadcast %sign3A_340 : i32 to vector<16xi32>
        %sign3A_342 = arith.ori %sign3A_341, %sign3A_339 : vector<16xi32>
        %sign3A_343 = tpu.bitcast %sign3A_342 : vector<16xi32> -> vector<16xf32>
        %sign3A_344 = math.absf %sub3A_335 : vector<16xf32>
        %sign3A_345 = arith.constant 0.000000e+00 : f32
        %sign3A_346 = vector.broadcast %sign3A_345 : f32 to vector<16xf32>
        %sign3A_347 = arith.cmpf ogt, %sign3A_344, %sign3A_346 : vector<16xf32>
        %sign3A_348 = arith.select %sign3A_347, %sign3A_343, %sub3A_335 : vector<16xi1>, vector<16xf32>
        %mul3A_349 = arith.mulf %mul3A_334, %sign3A_348 : vector<16xf32>
        %swap3A_350 = arith.index_cast %scan3A_32 : i32 to index
        %swap3A_351 = arith.constant 80 : index
        %swap3A_352 = tpu.vector_load %arg13[%swap3A_350, %swap3A_351] {strides = array<i32>} : memref<16x128xf32, #tpu.memory_space<vmem>>, vector<16xf32>,
        tpu.vector_store %arg13[%swap3A_350, %swap3A_351], %mul3A_349 {strides = array<i32>} : memref<16x128xf32, #tpu.memory_space<vmem>>, vector<16xf32>,
        %swap3A_353 = arith.index_cast %scan3A_32 : i32 to index
        %swap3A_354 = arith.constant 80 : index
        %swap3A_355 = tpu.vector_load %arg14[%swap3A_353, %swap3A_354] {strides = array<i32>} : memref<16x128xf32, #tpu.memory_space<vmem>>, vector<16xf32>,
        tpu.vector_store %arg14[%swap3A_353, %swap3A_354], %mul3A_334 {strides = array<i32>} : memref<16x128xf32, #tpu.memory_space<vmem>>, vector<16xf32>,
        %get3A_356 = arith.index_cast %scan3A_32 : i32 to index
        %get3A_357 = arith.constant 96 : index
        %get3A_358 = tpu.vector_load %arg10[%get3A_356, %get3A_357] {strides = array<i32>} : memref<16x128xi32, #tpu.memory_space<vmem>>, vector<16xi32>,
        %get3A_359 = arith.index_cast %scan3A_32 : i32 to index
        %get3A_360 = arith.constant 96 : index
        %get3A_361 = tpu.vector_load %arg11[%get3A_359, %get3A_360] {strides = array<i32>} : memref<16x128xi32, #tpu.memory_space<vmem>>, vector<16xi32>,
        %get3A_362 = arith.index_cast %scan3A_32 : i32 to index
        %get3A_363 = arith.constant 96 : index
        %get3A_364 = tpu.vector_load %arg12[%get3A_362, %get3A_363] {strides = array<i32>} : memref<16x128xf32, #tpu.memory_space<vmem>>, vector<16xf32>,
        %gather3A_365 = tpu.vector_load_idx %arg9[%get3A_358] : memref<100000xf32, #tpu.memory_space<vmem>>[vector<16xi32>], vector<16xf32>,
        %gather3A_366 = tpu.vector_load_idx %arg9[%get3A_361] : memref<100000xf32, #tpu.memory_space<vmem>>[vector<16xi32>], vector<16xf32>,
        %bitcast3A_367 = vector.bitcast %get3A_364 : vector<16xf32> to vector<16xi32>
        %shift_right_arithmetic3A_368 = arith.constant 1 : i32
        %shift_right_arithmetic3A_369 = vector.broadcast %shift_right_arithmetic3A_368 : i32 to vector<16xi32>
        %shift_right_arithmetic3A_370 = arith.shrsi %bitcast3A_367, %shift_right_arithmetic3A_369 : vector<16xi32>
        %add3A_371 = arith.constant 532487669 : i32
        %add3A_372 = vector.broadcast %add3A_371 : i32 to vector<16xi32>
        %add3A_373 = arith.addi %shift_right_arithmetic3A_370, %add3A_372 : vector<16xi32>
        %bitcast3A_374 = vector.bitcast %add3A_373 : vector<16xi32> to vector<16xf32>
        %div3A_375 = arith.divf %get3A_364, %bitcast3A_374 : vector<16xf32>
        %add3A_376 = arith.addf %bitcast3A_374, %div3A_375 : vector<16xf32>
        %mul3A_377 = arith.constant 5.000000e-01 : f32
        %mul3A_378 = vector.broadcast %mul3A_377 : f32 to vector<16xf32>
        %mul3A_379 = arith.mulf %mul3A_378, %add3A_376 : vector<16xf32>
        %div3A_380 = arith.divf %get3A_364, %mul3A_379 : vector<16xf32>
        %add3A_381 = arith.addf %mul3A_379, %div3A_380 : vector<16xf32>
        %mul3A_382 = arith.constant 5.000000e-01 : f32
        %mul3A_383 = vector.broadcast %mul3A_382 : f32 to vector<16xf32>
        %mul3A_384 = arith.mulf %mul3A_383, %add3A_381 : vector<16xf32>
        %div3A_385 = arith.divf %get3A_364, %mul3A_384 : vector<16xf32>
        %add3A_386 = arith.addf %mul3A_384, %div3A_385 : vector<16xf32>
        %mul3A_387 = arith.constant 5.000000e-01 : f32
        %mul3A_388 = vector.broadcast %mul3A_387 : f32 to vector<16xf32>
        %mul3A_389 = arith.mulf %mul3A_388, %add3A_386 : vector<16xf32>
        %sub3A_390 = arith.subf %gather3A_365, %gather3A_366 : vector<16xf32>
        %sign3A_391 = tpu.bitcast %sub3A_390 : vector<16xf32> -> vector<16xi32>
        %sign3A_392 = arith.constant -2147483648 : i32
        %sign3A_393 = vector.broadcast %sign3A_392 : i32 to vector<16xi32>
        %sign3A_394 = arith.andi %sign3A_391, %sign3A_393 : vector<16xi32>
        %sign3A_395 = arith.constant 1065353216 : i32
        %sign3A_396 = vector.broadcast %sign3A_395 : i32 to vector<16xi32>
        %sign3A_397 = arith.ori %sign3A_396, %sign3A_394 : vector<16xi32>
        %sign3A_398 = tpu.bitcast %sign3A_397 : vector<16xi32> -> vector<16xf32>
        %sign3A_399 = math.absf %sub3A_390 : vector<16xf32>
        %sign3A_400 = arith.constant 0.000000e+00 : f32
        %sign3A_401 = vector.broadcast %sign3A_400 : f32 to vector<16xf32>
        %sign3A_402 = arith.cmpf ogt, %sign3A_399, %sign3A_401 : vector<16xf32>
        %sign3A_403 = arith.select %sign3A_402, %sign3A_398, %sub3A_390 : vector<16xi1>, vector<16xf32>
        %mul3A_404 = arith.mulf %mul3A_389, %sign3A_403 : vector<16xf32>
        %swap3A_405 = arith.index_cast %scan3A_32 : i32 to index
        %swap3A_406 = arith.constant 96 : index
        %swap3A_407 = tpu.vector_load %arg13[%swap3A_405, %swap3A_406] {strides = array<i32>} : memref<16x128xf32, #tpu.memory_space<vmem>>, vector<16xf32>,
        tpu.vector_store %arg13[%swap3A_405, %swap3A_406], %mul3A_404 {strides = array<i32>} : memref<16x128xf32, #tpu.memory_space<vmem>>, vector<16xf32>,
        %swap3A_408 = arith.index_cast %scan3A_32 : i32 to index
        %swap3A_409 = arith.constant 96 : index
        %swap3A_410 = tpu.vector_load %arg14[%swap3A_408, %swap3A_409] {strides = array<i32>} : memref<16x128xf32, #tpu.memory_space<vmem>>, vector<16xf32>,
        tpu.vector_store %arg14[%swap3A_408, %swap3A_409], %mul3A_389 {strides = array<i32>} : memref<16x128xf32, #tpu.memory_space<vmem>>, vector<16xf32>,
        %get3A_411 = arith.index_cast %scan3A_32 : i32 to index
        %get3A_412 = arith.constant 112 : index
        %get3A_413 = tpu.vector_load %arg10[%get3A_411, %get3A_412] {strides = array<i32>} : memref<16x128xi32, #tpu.memory_space<vmem>>, vector<16xi32>,
        %get3A_414 = arith.index_cast %scan3A_32 : i32 to index
        %get3A_415 = arith.constant 112 : index
        %get3A_416 = tpu.vector_load %arg11[%get3A_414, %get3A_415] {strides = array<i32>} : memref<16x128xi32, #tpu.memory_space<vmem>>, vector<16xi32>,
        %get3A_417 = arith.index_cast %scan3A_32 : i32 to index
        %get3A_418 = arith.constant 112 : index
        %get3A_419 = tpu.vector_load %arg12[%get3A_417, %get3A_418] {strides = array<i32>} : memref<16x128xf32, #tpu.memory_space<vmem>>, vector<16xf32>,
        %gather3A_420 = tpu.vector_load_idx %arg9[%get3A_413] : memref<100000xf32, #tpu.memory_space<vmem>>[vector<16xi32>], vector<16xf32>,
        %gather3A_421 = tpu.vector_load_idx %arg9[%get3A_416] : memref<100000xf32, #tpu.memory_space<vmem>>[vector<16xi32>], vector<16xf32>,
        %bitcast3A_422 = vector.bitcast %get3A_419 : vector<16xf32> to vector<16xi32>
        %shift_right_arithmetic3A_423 = arith.constant 1 : i32
        %shift_right_arithmetic3A_424 = vector.broadcast %shift_right_arithmetic3A_423 : i32 to vector<16xi32>
        %shift_right_arithmetic3A_425 = arith.shrsi %bitcast3A_422, %shift_right_arithmetic3A_424 : vector<16xi32>
        %add3A_426 = arith.constant 532487669 : i32
        %add3A_427 = vector.broadcast %add3A_426 : i32 to vector<16xi32>
        %add3A_428 = arith.addi %shift_right_arithmetic3A_425, %add3A_427 : vector<16xi32>
        %bitcast3A_429 = vector.bitcast %add3A_428 : vector<16xi32> to vector<16xf32>
        %div3A_430 = arith.divf %get3A_419, %bitcast3A_429 : vector<16xf32>
        %add3A_431 = arith.addf %bitcast3A_429, %div3A_430 : vector<16xf32>
        %mul3A_432 = arith.constant 5.000000e-01 : f32
        %mul3A_433 = vector.broadcast %mul3A_432 : f32 to vector<16xf32>
        %mul3A_434 = arith.mulf %mul3A_433, %add3A_431 : vector<16xf32>
        %div3A_435 = arith.divf %get3A_419, %mul3A_434 : vector<16xf32>
        %add3A_436 = arith.addf %mul3A_434, %div3A_435 : vector<16xf32>
        %mul3A_437 = arith.constant 5.000000e-01 : f32
        %mul3A_438 = vector.broadcast %mul3A_437 : f32 to vector<16xf32>
        %mul3A_439 = arith.mulf %mul3A_438, %add3A_436 : vector<16xf32>
        %div3A_440 = arith.divf %get3A_419, %mul3A_439 : vector<16xf32>
        %add3A_441 = arith.addf %mul3A_439, %div3A_440 : vector<16xf32>
        %mul3A_442 = arith.constant 5.000000e-01 : f32
        %mul3A_443 = vector.broadcast %mul3A_442 : f32 to vector<16xf32>
        %mul3A_444 = arith.mulf %mul3A_443, %add3A_441 : vector<16xf32>
        %sub3A_445 = arith.subf %gather3A_420, %gather3A_421 : vector<16xf32>
        %sign3A_446 = tpu.bitcast %sub3A_445 : vector<16xf32> -> vector<16xi32>
        %sign3A_447 = arith.constant -2147483648 : i32
        %sign3A_448 = vector.broadcast %sign3A_447 : i32 to vector<16xi32>
        %sign3A_449 = arith.andi %sign3A_446, %sign3A_448 : vector<16xi32>
        %sign3A_450 = arith.constant 1065353216 : i32
        %sign3A_451 = vector.broadcast %sign3A_450 : i32 to vector<16xi32>
        %sign3A_452 = arith.ori %sign3A_451, %sign3A_449 : vector<16xi32>
        %sign3A_453 = tpu.bitcast %sign3A_452 : vector<16xi32> -> vector<16xf32>
        %sign3A_454 = math.absf %sub3A_445 : vector<16xf32>
        %sign3A_455 = arith.constant 0.000000e+00 : f32
        %sign3A_456 = vector.broadcast %sign3A_455 : f32 to vector<16xf32>
        %sign3A_457 = arith.cmpf ogt, %sign3A_454, %sign3A_456 : vector<16xf32>
        %sign3A_458 = arith.select %sign3A_457, %sign3A_453, %sub3A_445 : vector<16xi1>, vector<16xf32>
        %mul3A_459 = arith.mulf %mul3A_444, %sign3A_458 : vector<16xf32>
        %swap3A_460 = arith.index_cast %scan3A_32 : i32 to index
        %swap3A_461 = arith.constant 112 : index
        %swap3A_462 = tpu.vector_load %arg13[%swap3A_460, %swap3A_461] {strides = array<i32>} : memref<16x128xf32, #tpu.memory_space<vmem>>, vector<16xf32>,
        tpu.vector_store %arg13[%swap3A_460, %swap3A_461], %mul3A_459 {strides = array<i32>} : memref<16x128xf32, #tpu.memory_space<vmem>>, vector<16xf32>,
        %swap3A_463 = arith.index_cast %scan3A_32 : i32 to index
        %swap3A_464 = arith.constant 112 : index
        %swap3A_465 = tpu.vector_load %arg14[%swap3A_463, %swap3A_464] {strides = array<i32>} : memref<16x128xf32, #tpu.memory_space<vmem>>, vector<16xf32>,
        tpu.vector_store %arg14[%swap3A_463, %swap3A_464], %mul3A_444 {strides = array<i32>} : memref<16x128xf32, #tpu.memory_space<vmem>>, vector<16xf32>,
        %scan3A_466 = arith.constant 0 : i32
        scf.yield %scan3A_466 : i32
      }
      %scan3A_23 = arith.constant 16 : i32
      %scan3A_24 = arith.constant 0 : i32
      %scan3A_25 = arith.constant 0 : i32
      %scan3A_26 = arith.constant 16 : i32
      %scan3A_27 = arith.addi %scan3A_25, %scan3A_26 : i32
      %scan3A_28 = arith.constant 1 : i32
      %scan3A_29 = scf.for %scan3A_32 = %scan3A_25 to %scan3A_27 step %scan3A_28 iter_args(%scan3A_33 = %scan3A_24) -> (i32)  : i32 {
        "tpu.region"() ({
          %run_scoped3A = tpu.sem_alloc : memref<!tpu.dma_semaphore, #tpu.memory_space<semaphore_mem>>
          %dma_start3A = arith.constant 0 : i32
          %dma_start3A_35 = tpu.memref_slice %arg13[%scan3A_32, %dma_start3A] : memref<16x128xf32, #tpu.memory_space<vmem>> -> memref<1x128xf32, #tpu.memory_space<vmem>>
          %dma_start3A_36 = tpu.memref_squeeze %dma_start3A_35 : memref<1x128xf32, #tpu.memory_space<vmem>> -> memref<128xf32, #tpu.memory_space<vmem>>
          %dma_start3A_37 = arith.constant 0 : i32
          %dma_start3A_38 = tpu.memref_slice %arg11[%scan3A_32, %dma_start3A_37] : memref<16x128xi32, #tpu.memory_space<vmem>> -> memref<1x128xi32, #tpu.memory_space<vmem>>
          %dma_start3A_39 = tpu.memref_squeeze %dma_start3A_38 : memref<1x128xi32, #tpu.memory_space<vmem>> -> memref<128xi32, #tpu.memory_space<vmem>>
          %dma_start3A_40 = arith.constant 0 : i32
          %dma_start3A_41 = tpu.memref_slice %arg15[%dma_start3A_40] : memref<100352xf32, #tpu.memory_space<vmem_shared>> -> memref<100352xf32, #tpu.memory_space<vmem_shared>>
          tpu.enqueue_indirect_dma source(%dma_start3A_36 : memref<128xf32, #tpu.memory_space<vmem>>) target(%dma_start3A_41 : memref<100352xf32, #tpu.memory_space<vmem_shared>>) offsets(%dma_start3A_39 : memref<128xi32, #tpu.memory_space<vmem>>) semaphore(%run_scoped3A : memref<!tpu.dma_semaphore, #tpu.memory_space<semaphore_mem>>) {add = true}
          %dma_wait3A = arith.constant 0 : i32
          %dma_wait3A_42 = tpu.memref_slice %arg13[%scan3A_32, %dma_wait3A] : memref<16x128xf32, #tpu.memory_space<vmem>> -> memref<1x128xf32, #tpu.memory_space<vmem>>
          %dma_wait3A_43 = tpu.memref_squeeze %dma_wait3A_42 : memref<1x128xf32, #tpu.memory_space<vmem>> -> memref<128xf32, #tpu.memory_space<vmem>>
          %dma_wait3A_44 = arith.constant 0 : i32
          %dma_wait3A_45 = tpu.memref_slice %arg11[%scan3A_32, %dma_wait3A_44] : memref<16x128xi32, #tpu.memory_space<vmem>> -> memref<1x128xi32, #tpu.memory_space<vmem>>
          %dma_wait3A_46 = tpu.memref_squeeze %dma_wait3A_45 : memref<1x128xi32, #tpu.memory_space<vmem>> -> memref<128xi32, #tpu.memory_space<vmem>>
          %dma_wait3A_47 = arith.constant 0 : i32
          %dma_wait3A_48 = tpu.memref_slice %arg15[%dma_wait3A_47] : memref<100352xf32, #tpu.memory_space<vmem_shared>> -> memref<100352xf32, #tpu.memory_space<vmem_shared>>
          tpu.wait_indirect_dma semaphore(%run_scoped3A : memref<!tpu.dma_semaphore, #tpu.memory_space<semaphore_mem>>) src(%dma_wait3A_43 : memref<128xf32, #tpu.memory_space<vmem>>) dst(%dma_wait3A_48 : memref<100352xf32, #tpu.memory_space<vmem_shared>>)
          tpu.yield
        }) : () -> ()
        "tpu.region"() ({
          %run_scoped3A = tpu.sem_alloc : memref<!tpu.dma_semaphore, #tpu.memory_space<semaphore_mem>>
          %dma_start3A = arith.constant 0 : i32
          %dma_start3A_35 = tpu.memref_slice %arg14[%scan3A_32, %dma_start3A] : memref<16x128xf32, #tpu.memory_space<vmem>> -> memref<1x128xf32, #tpu.memory_space<vmem>>
          %dma_start3A_36 = tpu.memref_squeeze %dma_start3A_35 : memref<1x128xf32, #tpu.memory_space<vmem>> -> memref<128xf32, #tpu.memory_space<vmem>>
          %dma_start3A_37 = arith.constant 0 : i32
          %dma_start3A_38 = tpu.memref_slice %arg11[%scan3A_32, %dma_start3A_37] : memref<16x128xi32, #tpu.memory_space<vmem>> -> memref<1x128xi32, #tpu.memory_space<vmem>>
          %dma_start3A_39 = tpu.memref_squeeze %dma_start3A_38 : memref<1x128xi32, #tpu.memory_space<vmem>> -> memref<128xi32, #tpu.memory_space<vmem>>
          %dma_start3A_40 = arith.constant 0 : i32
          %dma_start3A_41 = tpu.memref_slice %arg16[%dma_start3A_40] : memref<100352xf32, #tpu.memory_space<vmem_shared>> -> memref<100352xf32, #tpu.memory_space<vmem_shared>>
          tpu.enqueue_indirect_dma source(%dma_start3A_36 : memref<128xf32, #tpu.memory_space<vmem>>) target(%dma_start3A_41 : memref<100352xf32, #tpu.memory_space<vmem_shared>>) offsets(%dma_start3A_39 : memref<128xi32, #tpu.memory_space<vmem>>) semaphore(%run_scoped3A : memref<!tpu.dma_semaphore, #tpu.memory_space<semaphore_mem>>) {add = true}
          %dma_wait3A = arith.constant 0 : i32
          %dma_wait3A_42 = tpu.memref_slice %arg14[%scan3A_32, %dma_wait3A] : memref<16x128xf32, #tpu.memory_space<vmem>> -> memref<1x128xf32, #tpu.memory_space<vmem>>
          %dma_wait3A_43 = tpu.memref_squeeze %dma_wait3A_42 : memref<1x128xf32, #tpu.memory_space<vmem>> -> memref<128xf32, #tpu.memory_space<vmem>>
          %dma_wait3A_44 = arith.constant 0 : i32
          %dma_wait3A_45 = tpu.memref_slice %arg11[%scan3A_32, %dma_wait3A_44] : memref<16x128xi32, #tpu.memory_space<vmem>> -> memref<1x128xi32, #tpu.memory_space<vmem>>
          %dma_wait3A_46 = tpu.memref_squeeze %dma_wait3A_45 : memref<1x128xi32, #tpu.memory_space<vmem>> -> memref<128xi32, #tpu.memory_space<vmem>>
          %dma_wait3A_47 = arith.constant 0 : i32
          %dma_wait3A_48 = tpu.memref_slice %arg16[%dma_wait3A_47] : memref<100352xf32, #tpu.memory_space<vmem_shared>> -> memref<100352xf32, #tpu.memory_space<vmem_shared>>
          tpu.wait_indirect_dma semaphore(%run_scoped3A : memref<!tpu.dma_semaphore, #tpu.memory_space<semaphore_mem>>) src(%dma_wait3A_43 : memref<128xf32, #tpu.memory_space<vmem>>) dst(%dma_wait3A_48 : memref<100352xf32, #tpu.memory_space<vmem_shared>>)
          tpu.yield
        }) : () -> ()
        %scan3A_34 = arith.constant 0 : i32
        scf.yield %scan3A_34 : i32
      }
      %scan3A_30 = arith.constant 16 : i32
      %scan3A_31 = arith.constant 0 : i32
      scf.yield %scan3A_31 : i32
    }
    %scan3A_10 = arith.constant 49 : i32
    %barrier3A_11 = arith.constant 0 : index
    tpu.barrier barrier_id(%barrier3A_11)
    "tpu.region"() ({
      %run_scoped3A = tpu.sem_alloc : memref<!tpu.dma_semaphore, #tpu.memory_space<semaphore_mem>>
      %dma_start3A = tpu.memref_slice %arg7[%arg0, %mul3A_2] : memref<2x100352xf32, #tpu.memory_space<hbm>> -> memref<1x6272xf32, #tpu.memory_space<hbm>>
      %dma_start3A_12 = tpu.memref_squeeze %dma_start3A : memref<1x6272xf32, #tpu.memory_space<hbm>> -> memref<6272xf32, #tpu.memory_space<hbm>>
      %dma_start3A_13 = tpu.memref_slice %arg15[%mul3A_2] : memref<100352xf32, #tpu.memory_space<vmem_shared>> -> memref<6272xf32, #tpu.memory_space<vmem_shared>>
      tpu.enqueue_dma source(%dma_start3A_13 : memref<6272xf32, #tpu.memory_space<vmem_shared>>) target(%dma_start3A_12 : memref<6272xf32, #tpu.memory_space<hbm>>) target_semaphore(%run_scoped3A : memref<!tpu.dma_semaphore, #tpu.memory_space<semaphore_mem>>)
      %dma_wait3A = tpu.memref_slice %arg7[%arg0, %mul3A_2] : memref<2x100352xf32, #tpu.memory_space<hbm>> -> memref<1x6272xf32, #tpu.memory_space<hbm>>
      %dma_wait3A_14 = tpu.memref_squeeze %dma_wait3A : memref<1x6272xf32, #tpu.memory_space<hbm>> -> memref<6272xf32, #tpu.memory_space<hbm>>
      %dma_wait3A_15 = tpu.memref_slice %arg15[%mul3A_2] : memref<100352xf32, #tpu.memory_space<vmem_shared>> -> memref<6272xf32, #tpu.memory_space<vmem_shared>>
      tpu.wait_dma2 semaphore(%run_scoped3A : memref<!tpu.dma_semaphore, #tpu.memory_space<semaphore_mem>>) src(%dma_wait3A_15 : memref<6272xf32, #tpu.memory_space<vmem_shared>>) dst(%dma_wait3A_14 : memref<6272xf32, #tpu.memory_space<hbm>>)
      tpu.yield
    }) : () -> ()
    "tpu.region"() ({
      %run_scoped3A = tpu.sem_alloc : memref<!tpu.dma_semaphore, #tpu.memory_space<semaphore_mem>>
      %dma_start3A = tpu.memref_slice %arg8[%arg0, %mul3A_2] : memref<2x100352xf32, #tpu.memory_space<hbm>> -> memref<1x6272xf32, #tpu.memory_space<hbm>>
      %dma_start3A_12 = tpu.memref_squeeze %dma_start3A : memref<1x6272xf32, #tpu.memory_space<hbm>> -> memref<6272xf32, #tpu.memory_space<hbm>>
      %dma_start3A_13 = tpu.memref_slice %arg16[%mul3A_2] : memref<100352xf32, #tpu.memory_space<vmem_shared>> -> memref<6272xf32, #tpu.memory_space<vmem_shared>>
      tpu.enqueue_dma source(%dma_start3A_13 : memref<6272xf32, #tpu.memory_space<vmem_shared>>) target(%dma_start3A_12 : memref<6272xf32, #tpu.memory_space<hbm>>) target_semaphore(%run_scoped3A : memref<!tpu.dma_semaphore, #tpu.memory_space<semaphore_mem>>)
      %dma_wait3A = tpu.memref_slice %arg8[%arg0, %mul3A_2] : memref<2x100352xf32, #tpu.memory_space<hbm>> -> memref<1x6272xf32, #tpu.memory_space<hbm>>
      %dma_wait3A_14 = tpu.memref_squeeze %dma_wait3A : memref<1x6272xf32, #tpu.memory_space<hbm>> -> memref<6272xf32, #tpu.memory_space<hbm>>
      %dma_wait3A_15 = tpu.memref_slice %arg16[%mul3A_2] : memref<100352xf32, #tpu.memory_space<vmem_shared>> -> memref<6272xf32, #tpu.memory_space<vmem_shared>>
      tpu.wait_dma2 semaphore(%run_scoped3A : memref<!tpu.dma_semaphore, #tpu.memory_space<semaphore_mem>>) src(%dma_wait3A_15 : memref<6272xf32, #tpu.memory_space<vmem_shared>>) dst(%dma_wait3A_14 : memref<6272xf32, #tpu.memory_space<hbm>>)
      tpu.yield
    }) : () -> ()
    return
  }
}

module attributes {stable_mosaic.version = 14 : i64} {
  func.func @_combine(%arg0: memref<2x784x128xf32, #tpu.memory_space<vmem>>, %arg1: memref<2x784x128xf32, #tpu.memory_space<vmem>>, %arg2: memref<784x128xf32, #tpu.memory_space<vmem>>) attributes {dimension_semantics = [], scalar_prefetch = 0 : i64, scratch_operands = 0 : i64, tpu.core_type = #tpu.core_type<tc>} {
    %get3A = arith.constant 0 : index
    %get3A_0 = arith.constant 0 : index
    %get3A_1 = arith.constant 0 : index
    %get3A_2 = vector.load %arg0[%get3A, %get3A_0, %get3A_1] : memref<2x784x128xf32, #tpu.memory_space<vmem>>, vector<1x784x128xf32>
    %get3A_3 = vector.shape_cast %get3A_2 : vector<1x784x128xf32> to vector<784x128xf32>
    %get3A_4 = arith.constant 1 : index
    %get3A_5 = arith.constant 0 : index
    %get3A_6 = arith.constant 0 : index
    %get3A_7 = vector.load %arg0[%get3A_4, %get3A_5, %get3A_6] : memref<2x784x128xf32, #tpu.memory_space<vmem>>, vector<1x784x128xf32>
    %get3A_8 = vector.shape_cast %get3A_7 : vector<1x784x128xf32> to vector<784x128xf32>
    %add3A = arith.addf %get3A_3, %get3A_8 : vector<784x128xf32>
    %get3A_9 = arith.constant 0 : index
    %get3A_10 = arith.constant 0 : index
    %get3A_11 = arith.constant 0 : index
    %get3A_12 = vector.load %arg1[%get3A_9, %get3A_10, %get3A_11] : memref<2x784x128xf32, #tpu.memory_space<vmem>>, vector<1x784x128xf32>
    %get3A_13 = vector.shape_cast %get3A_12 : vector<1x784x128xf32> to vector<784x128xf32>
    %get3A_14 = arith.constant 1 : index
    %get3A_15 = arith.constant 0 : index
    %get3A_16 = arith.constant 0 : index
    %get3A_17 = vector.load %arg1[%get3A_14, %get3A_15, %get3A_16] : memref<2x784x128xf32, #tpu.memory_space<vmem>>, vector<1x784x128xf32>
    %get3A_18 = vector.shape_cast %get3A_17 : vector<1x784x128xf32> to vector<784x128xf32>
    %add3A_19 = arith.addf %get3A_13, %get3A_18 : vector<784x128xf32>
    %div3A = arith.divf %add3A, %add3A_19 : vector<784x128xf32>
    %swap3A = arith.constant 0 : index
    %swap3A_20 = arith.constant 0 : index
    %swap3A_21 = vector.load %arg2[%swap3A, %swap3A_20] : memref<784x128xf32, #tpu.memory_space<vmem>>, vector<784x128xf32>
    tpu.vector_store %arg2[%swap3A, %swap3A_20], %div3A {strides = array<i32>} : memref<784x128xf32, #tpu.memory_space<vmem>>, vector<784x128xf32>,
    return
  }
}

</mosaic_0001>

<sc_bundles>
// kernel: kernel.4.cloned.1.call-start
scs
__scs_entry_jumppad:
0x0: {  	(pc) =	sbr.rel $0x88, $3  }
0x1: {  	(tag) =	ssettag $0x0;
	lr =	simm.s32 $0x1  }
0x2: {  	[smem:$0x3F9E] =	sst lr;
	_ =	strace $0xD0000000  }
0x3: {  	_ = 	snop  }
0x4: {  	_ = 	snop  }
0x5: {  	_ = 	snop  }
0x6: {  	_ = 	snop  }
0x7: {  	_ = 	snop  }
__scs_overlays_trampoline_lowered:
0x8: {  	[smem:$0x3FAD] =	sst s0  }
0x9: {  	[smem:$0x3FAE] =	sst s1  }
0xa: {  	[smem:$0x3FAF] =	sst s2  }
0xb: {  	[smem:$0x3FB0] =	sst s3  }
0xc: {  	[smem:$0x3FB1] =	sst s4  }
0xd: {  	[smem:$0x3FB2] =	sst s5  }
0xe: {  	[smem:$0x3FB3] =	sst s6  }
0xf: {  	[smem:$0x3FB4] =	sst s7  }
0x10: {  	[smem:$0x3FB5] =	sst s8  }
0x11: {  	[smem:$0x3FB6] =	sst s9;
	s0 =	simm.s32 @!p0 $0x0  }
0x12: {  	s1 =	sld [smem:$0x3F9C];
	s0 =	simm.s32 @p0 $0x1  }
0x13: {  	[smem:$0x3FB7] =	sst s0;
	s0 =	simm.s32 @!p1 $0x0  }
0x14: {  	s2 =	sld [smem:$0x3F9B];
	s0 =	simm.s32 @p1 $0x1  }
0x15: {  	[smem:$0x3FB8] =	sst s0;
	s0 =	simm.s32 @!p2 $0x0  }
0x16: {  	s3 =	sld [smem:$0x3FDB];
	s0 =	simm.s32 @p2 $0x1  }
0x17: {  	s4 =	simm.s32 $0x1BF5;
	[smem:$0x3FBA] =	sst s0  }
0x18: {  	s0 =	sld [smem:$0x3F9D];
	_ =	swait.ge [sflag:s4], $0x0  }
0x19: {  	s7 =	sld [smem:$0x3F9E]  }
0x1a: {  	s8 =	sadd.s32 $0xFFFFE003, lr  }
0x1b: {  	s9 =	sadd.s32 $0xFFFFFEF7, lr;
	s5 =	simm.s32 $0xFFFFFFFF;
	p2 =	slt.u32 s8, $0xFFFFF086  }
0x1c: {  	p1 =	slt.u32 s9, $0xF7A;
	s5 =	simm.s32 @!p2 $0x0  }
0x1d: {  	s5 =	simm.s32 @p1 $0x1;
	p0 =	seq.s32 s7, s2  }
0x1e: {  	s7 =	smul.u32 @!p0 $0xF7A, s2;
	p2 =	seq.s32 @!p0 s5, $0x0  }
0x1f: {  	s9 =	smul.u32 $0xF7A, s1;
	s8 =	simm.s32 @!p0 $0x1BF5;
	p2 =	por !p2, p0  }
0x20: {  	[sflag:s8] =	ssyncset.s32 @!p0 $0xFFFFF086;
	s6 =	sadd.s32 @!p0 s3, s7;
	s7 =	simm.s32 @!p0 $0x108  }
0x21: {  	s3 =	sadd.s32 s3, s9;
	s6 =	sadd.s32 @!p0 $0x88, s6;
	s7 =	simm.s32 @p2 $0x1082  }
0x22: {  	[simem:s7], [sflag:s8] =	dma.local @!p0 [hbm:s6], $0xF7A  }
0x23: {  	s9 =	sor.u32 $0xD0000000, s2;
	s6 =	simm.s32 $0x108;
	_ =	swait.ge @!p0 [sflag:s8], $0x0  }
0x24: {  	s3 =	sadd.s32 $0x88, s3;
	s6 =	simm.s32 @!p1 $0x1082;
	[sflag:s4] =	ssyncset.s32 $0xFFFFF086  }
0x25: {  	[simem:s6], [sflag:s4] =	dma.local [hbm:s3], $0xF7A  }
0x26: {  	[smem:$0x3F9E] =	sst s1;
	(tag) =	ssettag s2;
	_ =	strace s9  }
0x27: {  	s1 =	sld [smem:$0x3FAE]  }
0x28: {  	s2 =	sld [smem:$0x3FAF]  }
0x29: {  	s4 =	sld [smem:$0x3FB1]  }
0x2a: {  	p0 =	seq.s32 s5, $0x0;
	s5 =	sld [smem:$0x3FB2]  }
0x2b: {  	s6 =	sld [smem:$0x3FB3]  }
0x2c: {  	s7 =	sld [smem:$0x3FB4]  }
0x2d: {  	s3 =	simm.s32 $0x108;
	s8 =	sld [smem:$0x3FB5]  }
0x2e: {  	s3 =	simm.s32 @!p0 $0x1082;
	s9 =	sld [smem:$0x3FB6]  }
0x2f: {  	lr =	sadd.s32 s0, s3;
	s0 =	sld [smem:$0x3FAD]  }
0x30: {  	s3 =	sld [smem:$0x3FB0]  }
0x31: {  	[smem:$0x3FB9] =	sst s10  }
0x32: {  	s10 =	sld [smem:$0x3FB7];
	_ =	sdelay $0x3  }
0x33: {  	p0 =	seq.s32 s10, $0x1;
	s10 =	sld [smem:$0x3FB9];
	_ =	sdelay $0x3  }
0x34: {  	[smem:$0x3FB9] =	sst s10  }
0x35: {  	s10 =	sld [smem:$0x3FB8];
	_ =	sdelay $0x3  }
0x36: {  	p1 =	seq.s32 s10, $0x1;
	s10 =	sld [smem:$0x3FB9];
	_ =	sdelay $0x3  }
0x37: {  	[smem:$0x3FB9] =	sst s10  }
0x38: {  	s10 =	sld [smem:$0x3FBA]  }
0x39: {  	_ = 	snop;
	(pc) =	sbr.ind lr, $3  }
0x3a: {  	_ = 	snop  }
0x3b: {  	_ = 	snop  }
0x3c: {  	p2 =	seq.s32 s10, $0x1;
	s10 =	sld [smem:$0x3FB9]  }
0x3d: {  	_ =	shalt  }
0x3e: {  	_ =	shalt  }
0x3f: {  	_ =	shalt  }
0x40: {  	_ =	shalt  }
0x41: {  	_ =	shalt  }
0x42: {  	_ =	shalt  }
0x43: {  	_ =	shalt  }
0x44: {  	_ =	shalt  }
0x45: {  	_ =	shalt  }
0x46: {  	_ =	shalt  }
0x47: {  	_ =	shalt  }
0x48: {  	_ =	shalt  }
0x49: {  	_ =	shalt  }
0x4a: {  	_ =	shalt  }
0x4b: {  	_ =	shalt  }
0x4c: {  	_ =	shalt  }
0x4d: {  	_ =	shalt  }
0x4e: {  	_ =	shalt  }
0x4f: {  	_ =	shalt  }
0x50: {  	_ =	shalt  }
0x51: {  	_ =	shalt  }
0x52: {  	_ =	shalt  }
0x53: {  	_ =	shalt  }
0x54: {  	_ =	shalt  }
0x55: {  	_ =	shalt  }
0x56: {  	_ =	shalt  }
0x57: {  	_ =	shalt  }
0x58: {  	_ =	shalt  }
0x59: {  	_ =	shalt  }
0x5a: {  	_ =	shalt  }
0x5b: {  	_ =	shalt  }
0x5c: {  	_ =	shalt  }
0x5d: {  	_ =	shalt  }
0x5e: {  	_ =	shalt  }
0x5f: {  	_ =	shalt  }
0x60: {  	_ =	shalt  }
0x61: {  	_ =	shalt  }
0x62: {  	_ =	shalt  }
0x63: {  	_ =	shalt  }
0x64: {  	_ =	shalt  }
0x65: {  	_ =	shalt  }
0x66: {  	_ =	shalt  }
0x67: {  	_ =	shalt  }
0x68: {  	_ =	shalt  }
0x69: {  	_ =	shalt  }
0x6a: {  	_ =	shalt  }
0x6b: {  	_ =	shalt  }
0x6c: {  	_ =	shalt  }
0x6d: {  	_ =	shalt  }
0x6e: {  	_ =	shalt  }
0x6f: {  	_ =	shalt  }
0x70: {  	_ =	shalt  }
0x71: {  	_ =	shalt  }
0x72: {  	_ =	shalt  }
0x73: {  	_ =	shalt  }
0x74: {  	_ =	shalt  }
0x75: {  	_ =	shalt  }
0x76: {  	_ =	shalt  }
0x77: {  	_ =	shalt  }
0x78: {  	_ =	shalt  }
0x79: {  	_ =	shalt  }
0x7a: {  	_ =	shalt  }
0x7b: {  	_ =	shalt  }
0x7c: {  	_ =	shalt  }
0x7d: {  	_ =	shalt  }
0x7e: {  	_ =	shalt  }
0x7f: {  	_ =	shalt  }
0x80: {  	_ =	shalt  }
0x81: {  	_ =	shalt  }
0x82: {  	_ =	shalt  }
0x83: {  	_ =	shalt  }
0x84: {  	_ =	shalt  }
0x85: {  	_ =	shalt  }
0x86: {  	_ =	shalt  }
0x87: {  	_ =	shalt  }
.Lfunc_end0:
.L_simem_size_0:
called_computation_lowered:
.L_overlay_start_0:
0x88: {  	s2 =	sld [smem:$0x3FD9]  }
0x89: {  	s3 =	sld [smem:$0x3FFE];
	_ =	sdelay $0x1  }
0x8a: {  	s1 =	srdreg.scid  }
0x8b: {  	s0 =	sand.u32 $0x1, s1  }
0x8c: {  	s16 =	sshll.u32 s0, $0xA;
	s2 =	sadd.s32 s3, s2  }
0x8d: {  	s2 =	sadd.s32 s2, s16  }
0x8e: {  	[smem:$0x3FC5] =	sst s2  }
0x8f: {  	_ = 	snop  }
0x90: {  	(tm) =	ssettm $0x1  }
0x91: {  	s17 =	sld [smem:$0x3FFB];
	_ =	sdelay $0x3  }
0x92: {  	_ =	strace s17  }
0x93: {  	s2 =	sld [smem:$0x3FFC];
	_ =	sdelay $0x3  }
0x94: {  	_ =	strace s2  }
0x95: {  	s2 =	sld [smem:$0x3FFD];
	_ =	sdelay $0x3  }
0x96: {  	_ =	strace s2  }
0x97: {  	_ =	strace $0x8FFFFFFF  }
0x98: {  	s18 =	sld [smem:$0x3FDB];
	_ =	sdelay $0x1  }
0x99: {  	s19 =	simm.s32 $_scs_section_size  }
0x9a: {  	s4 =	simm.s32 $_size__tile_overlayer_lowered;
	s5 =	simm.s32 $_tile_overlayer_lowered  }
0x9b: {  	s22 =	simm.s32 $0x1BFF;
	s21 =	sshll.u32 s5, $0x1;
	s2 =	sadd.s32 s19, s18  }
0x9c: {  	s6 =	simm.s32 $0x0;
	s20 =	sshll.u32 s4, $0x1;
	s4 =	sadd.s32 s21, s2  }
0x9d: {  	[timem:s6], [sflag:s22] =	dma.local [hbm:s4], s20  }
0x9e: {  	_ =	swait.ge [sflag:s22], s20  }
0x9f: {  	s3 =	ssub.s32 $0x0, s20;
	[sflag:s22] =	ssyncset.done $0x0  }
0xa0: {  	[sflag:s22] =	ssyncadd.s32 s3;
	_ =	sdelay $0x1  }
0xa1: {  	s23 =	simm.s32 $0x1B8B  }
0xa2: {  	_ =	swait.ge [sflag:s23], $0x1  }
0xa3: {  	[sflag:s23] =	ssyncset.done $0x0  }
0xa4: {  	s25 =	simm.s32 $0x1B8E;
	s24 =	sld [smem:$0x3FFE];
	[sflag:s23] =	ssyncadd.s32 $0xFFFFFFFF  }
0xa5: {  	s26 =	simm.s32 $execute0_lowered;
	[smem:$0x3FD2] =	sst s25  }
0xa6: {  	s4 =	sshll.u32 s26, $0x1;
	_ =	strace $0x80000046;
	[dreg:$0x1] =	wrdreg $0xFFFFFFFF  }
0xa7: {  	s28 =	simm.s32 $_size_execute0_lowered;
	s2 =	sadd.s32 s2, s4;
	[dreg:$0x0] =	wrdreg $0x0  }
0xa8: {  	s4 =	sshll.u32 s28, $0x1;
	[dreg:$0x2] =	wrdreg s2  }
0xa9: {  	[dreg:$0x3] =	wrdreg s4  }
0xaa: {  	[dreg:$0x4] =	wrdreg $0xC0  }
0xab: {  	_ =	task [dreg:s6], $0x5FFFF  }
0xac: {  	[dreg:$0x1] =	wrdreg $0xFFFFFFFF  }
0xad: {  	[dreg:$0x0] =	wrdreg $0x60  }
0xae: {  	[dreg:$0x2] =	wrdreg s24  }
0xaf: {  	[dreg:$0x3] =	wrdreg $0x1AF000  }
0xb0: {  	[dreg:$0x4] =	wrdreg $0x1C7800  }
0xb1: {  	[dreg:$0x5] =	wrdreg $0x9  }
0xb2: {  	_ =	task.clear_ibuf [dreg:s6], $0x6FFFF;
	_ =	strace $0x90000046  }
0xb3: {  	s29 =	simm.s32 $0x9;
	_ =	strace $0x80000048  }
0xb4: {  	_ =	swait.ge [sflag:s29], $0x1  }
0xb5: {  	[sflag:s29] =	ssyncadd.s32 $0xFFFFFFFF  }
0xb6: {  	_ =	strace $0x90000048  }
0xb7: {  	_ =	sfence  }
0xb8: {  	s30 =	sld [smem:$0x0];
	_ =	sdelay $0x2  }
0xb9: {  	s31 =	sshll.u32 s1, $0xD;
	s1 =	sshrl.u32 s1, $0x2  }
0xba: {  	s3 =	sand.u32 $0x4000, s31;
	s1 =	sadd.s32 s1, s30  }
0xbb: {  	s0 =	sor.u32 s3, s0;
	s1 =	sshll.u32 s1, $0x11  }
0xbc: {  	s0 =	sor.u32 s1, s0  }
0xbd: {  	s0 =	sadd.s32 $0x8F2B, s0  }
0xbe: {  	[sflag:s0] =	ssyncadd.remote.s32 $0x1  }
0xbf: {  	_ =	sfence.sel $0xFFFF  }
0xc0: {  	[dreg:$0x0] =	wrdreg $0xFFFFFFFF;
	(pc) =	sbr.abs _section_cstart, $3  }
0xc1: {  	[dreg:$0x1] =	wrdreg $0xFFFFFFFF  }
0xc2: {  	_ =	task.clear_ibuf [dreg:s6], $0x2FFFF;
	_ =	strace $0x9FFFFFFF  }
0xc3: {  	(tm) =	ssettm $0x7FFFFFFF  }
tec
execute0_lowered:
.L_overlay_start_1:
0x0: {  	(tag) =	ssettag $0x1  }
0x1: {  	s9 =	rddreg [dreg:$0x0]  }
0x2: {  	s1 =	rddreg [dreg:$0x1]  }
0x3: {  	s3 =	rddreg [dreg:$0x2]  }
0x4: {  	s0 =	rddreg [dreg:$0x3]  }
0x5: {  	s4 =	simm.s32 $0x0;
	s2 =	stileid.u32;
	s6 =	srdreg.scid  }
0x6: {  	s18 =	simm.s32 $0x18700;
	s19 =	simm.s32 $0x18F00;
	s20 =	simm.s32 $0x19700  }
0x7: {  	s21 =	simm.s32 $0x80;
	s22 =	simm.s32 $0x20;
	s23 =	simm.s32 $0x10  }
0x8: {  	s24 =	simm.s32 $0x0;
	[smem:$0x7FF] =	sst s4;
	s11 =	smul.u32 $0x1880, s2  }
0x9: {  	s5 =	sadd.s32 $0x126A00, s9;
	s10 =	sand.u32 $0x1, s6;
	s12 =	smul.u32 $0x3100, s2  }
0xa: {  	s6 =	sadd.s32 $0xC4A00, s9;
	s7 =	sadd.s32 $0x62A00, s9;
	s8 =	sadd.s32 $0xA00, s9  }
0xb: {  	s31 =	sshll.u32 s2, $0x6;
	_ =	strace $0x80000047;
	s13 =	sshll.u32 s10, $0x7  }
0xc: {  	s28 =	ssub.s32 $0x2, s10;
	s10 =	sshll.u32 s10, $0x4;
	s14 =	sshrl.u32 s11, $0x3  }
0xd: {  	s12 =	sor.u32 s13, s12;
	s29 =	sshrl.u32 s28, $0x1;
	s30 =	sor.u32 s2, s10  }
0xe: {  	s16 =	sadd.s32 s11, s1;
	s10 =	sor.u32 $0x1C01, s31;
	s17 =	sadd.s32 s11, s3  }
0xf: {  	s26 =	sadd.s32 s14, s9;
	s12 =	sshrl.u32 s12, $0x3;
	s14 =	ssub.s32 s28, s29  }
0x10: {  	s11 =	smul.u32 $0x18800, s30;
	s17 =	sshrl.u32 s17, $0x3;
	s15 =	sadd.s32 s12, s9  }
0x11: {  	v0 =	vimm.f32 $1.000000000e+00;
	s9 =	sadd.s32 $0x129C00, s26;
	s14 =	smax.u32 s14, $0x1;
	s12 =	sadd.s32 $0x133000, s15  }
0x12: {  	v0 =	vand.u32 $0x7FFFFFFF, v0;
	s13 =	sadd.s32 $0x12CE00, s15;
	s15 =	sshrl.u32 s16, $0x3;
	s16 =	simm.s32 $0x1  }
.LBB2_1:
0x13: {  	[spmem:s15], [sflag:s10] =	dma.local [hbm:s9], $0x310  }
0x14: {  	_ =	swait.ge [sflag:s16], $0x310  }
0x15: {  	[sflag:s16] =	ssyncset.done $0x0  }
0x16: {  	[sflag:s16] =	ssyncadd.s32 $0xFFFFFCF0  }
0x17: {  	[spmem:s17], [sflag:s10] =	dma.local [hbm:s9], $0x310  }
0x18: {  	_ =	swait.ge [sflag:s16], $0x310  }
0x19: {  	[sflag:s16] =	ssyncset.done $0x0  }
0x1a: {  	[sflag:s16] =	ssyncadd.s32 $0xFFFFFCF0  }
0x1b: {  	[tilespmem:s4], [sflag:$0x1] =	stream.linear.gather [hbm4b:s5+s4], $0x18700, $0x38;
	[tilespmem:$0x1E000] =	vst v63  }
0x1c: {  	_ =	swait.ge [sflag:s16], $0x18700  }
0x1d: {  	[sflag:s16] =	ssyncset.done $0x0  }
0x1e: {  	[sflag:s16] =	ssyncadd.s32 $0xFFFE7900  }
0x1f: {  	s25 =	simm.s32 $0x0;
	[bflag:$0x0] =	sbarrier.arrive $0xFFFF  }
.LBB2_2:
0x20: {  	s26 =	sshll.u32 s25, $0xB  }
0x21: {  	s26 =	sadd.s32 s11, s26  }
0x22: {  	s28 =	sshrl.u32 s26, $0x3  }
0x23: {  	s26 =	simm.s32 $0x0;
	s29 =	sadd.s32 s6, s28  }
0x24: {  	[tilespmem:s18], [sflag:$0x1] =	stream.linear.gather [hbm4b:s29+s26], $0x800, $0x38;
	[tilespmem:$0x1E000] =	vst v63  }
0x25: {  	_ =	swait.ge [sflag:s16], $0x800  }
0x26: {  	[sflag:s16] =	ssyncset.done $0x0  }
0x27: {  	s29 =	sadd.s32 s7, s28;
	[sflag:s16] =	ssyncadd.s32 $0xFFFFF800  }
0x28: {  	[tilespmem:s19], [sflag:$0x1] =	stream.linear.gather [hbm4b:s29+s26], $0x800, $0x38;
	[tilespmem:$0x1E000] =	vst v63  }
0x29: {  	_ =	swait.ge [sflag:s16], $0x800  }
0x2a: {  	[sflag:s16] =	ssyncset.done $0x0  }
0x2b: {  	s28 =	sadd.s32 s8, s28;
	[sflag:s16] =	ssyncadd.s32 $0xFFFFF800  }
0x2c: {  	[tilespmem:s20], [sflag:$0x1] =	stream.linear.gather [hbm4b:s28+s26], $0x800, $0x38;
	[tilespmem:$0x1E000] =	vst v63  }
0x2d: {  	_ =	swait.ge [sflag:s16], $0x800  }
0x2e: {  	[sflag:s16] =	ssyncset.done $0x0  }
0x2f: {  	s28 =	simm.s32 $0x0;
	[sflag:s16] =	ssyncadd.s32 $0xFFFFF800  }
0x30: {  	v5 =	vld [tilespmem:s28+$0x19710]  }
0x31: {  	v6 =	vld [tilespmem:s28+$0x19700]  }
0x32: {  	v4 =	vld [tilespmem:s28+$0x19720];
	_ =	sdelay $0x2  }
0x33: {  	v3 =	vld [tilespmem:s28+$0x19730];
	v7 =	vshra.s32 v5, $0x1  }
0x34: {  	v2 =	vld [tilespmem:s28+$0x19740];
	v8 =	vshra.s32 v6, $0x1;
	v7 =	vadd.s32 $0x1FBD1DF5, v7  }
0x35: {  	v1 =	vld [tilespmem:s28+$0x19750];
	v9 =	vshra.s32 v4, $0x1;
	v8 =	vadd.s32 $0x1FBD1DF5, v8;
	(erf) = vrcp.f32 v7  }
0x36: {  	v11 =	vadd.s32 $0x1FBD1DF5, v9;
	(erf) = vrcp.f32 v8  }
0x37: {  	(erf) = vrcp.f32 v11  }
0x38: {  	v9 =	vshra.s32 v3, $0x1  }
0x39: {  	v12 =	vadd.s32 $0x1FBD1DF5, v9;
	v9 =	vshra.s32 v2, $0x1  }
0x3a: {  	v13 =	vadd.s32 $0x1FBD1DF5, v9;
	v9 =	vshra.s32 v1, $0x1;
	(erf) = vrcp.f32 v12  }
0x3b: {  	v14 =	vadd.s32 $0x1FBD1DF5, v9;
	(erf) = vrcp.f32 v13  }
0x3c: {  	v10 =	vld [tilespmem:s28+$0x19760];
	(erf) = vrcp.f32 v14  }
0x3d: {  	v9 =	vld [tilespmem:s28+$0x19770]  }
0x3e: {  	v15 =	vpop (erf)  }
0x3f: {  	v16 =	vpop (erf)  }
0x40: {  	v19 =	vpop (erf)  }
0x41: {  	v17 =	vshra.s32 v10, $0x1;
	v16 =	vmul.f32 v16, v6;
	v19 =	vmul.f32 v19, v4  }
0x42: {  	v17 =	vadd.s32 $0x1FBD1DF5, v17;
	v18 =	vshra.s32 v9, $0x1;
	v15 =	vmul.f32 v15, v5  }
0x43: {  	v18 =	vadd.s32 $0x1FBD1DF5, v18;
	(erf) = vrcp.f32 v17;
	v20 =	vpop (erf);
	v8 =	vadd.f32 v8, v16  }
0x44: {  	(erf) = vrcp.f32 v18;
	v7 =	vadd.f32 v7, v15;
	v16 =	vmul.f32 v20, v3;
	v20 =	vpop (erf)  }
0x45: {  	v11 =	vadd.f32 v11, v19;
	v15 =	vmul.f32 v20, v2;
	v8 =	vmul.f32 $5.000000000e-01, v8;
	v19 =	vpop (erf)  }
0x46: {  	v7 =	vmul.f32 $5.000000000e-01, v7;
	v12 =	vadd.f32 v12, v16;
	v16 =	vmul.f32 v19, v1  }
0x47: {  	v11 =	vmul.f32 $5.000000000e-01, v11;
	v13 =	vadd.f32 v13, v15;
	(erf) = vrcp.f32 v8  }
0x48: {  	v12 =	vmul.f32 $5.000000000e-01, v12;
	(erf) = vrcp.f32 v7;
	v14 =	vadd.f32 v14, v16  }
0x49: {  	v13 =	vmul.f32 $5.000000000e-01, v13;
	(erf) = vrcp.f32 v11  }
0x4a: {  	(erf) = vrcp.f32 v12;
	v14 =	vmul.f32 $5.000000000e-01, v14  }
0x4b: {  	(erf) = vrcp.f32 v13  }
0x4c: {  	v15 =	vpop (erf);
	(erf) = vrcp.f32 v14  }
0x4d: {  	v15 =	vmul.f32 v15, v10  }
0x4e: {  	v16 =	vpop (erf)  }
0x4f: {  	v15 =	vadd.f32 v17, v15;
	v16 =	vmul.f32 v16, v9  }
0x50: {  	v17 =	vpop (erf)  }
0x51: {  	v15 =	vmul.f32 $5.000000000e-01, v15;
	v16 =	vadd.f32 v18, v16;
	v18 =	vpop (erf)  }
0x52: {  	v18 =	vmul.f32 v18, v5;
	v19 =	vpop (erf)  }
0x53: {  	(erf) = vrcp.f32 v15;
	v19 =	vmul.f32 v19, v4;
	v20 =	vpop (erf)  }
0x54: {  	v16 =	vmul.f32 $5.000000000e-01, v16;
	v7 =	vadd.f32 v18, v7;
	v18 =	vmul.f32 v20, v3;
	v20 =	vpop (erf)  }
0x55: {  	v17 =	vmul.f32 v17, v6;
	v11 =	vadd.f32 v19, v11;
	v19 =	vmul.f32 v20, v2;
	v20 =	vpop (erf)  }
0x56: {  	v7 =	vmul.f32 $5.000000000e-01, v7;
	v12 =	vadd.f32 v18, v12;
	v18 =	vmul.f32 v20, v1  }
0x57: {  	(erf) = vrcp.f32 v16;
	v11 =	vmul.f32 $5.000000000e-01, v11;
	v13 =	vadd.f32 v19, v13  }
0x58: {  	v12 =	vmul.f32 $5.000000000e-01, v12;
	(erf) = vrcp.f32 v7;
	v14 =	vadd.f32 v18, v14  }
0x59: {  	v8 =	vadd.f32 v17, v8;
	v13 =	vmul.f32 $5.000000000e-01, v13;
	(erf) = vrcp.f32 v11  }
0x5a: {  	v17 =	vld [tilespmem:s28+$0x18F00];
	(erf) = vrcp.f32 v12;
	v14 =	vmul.f32 $5.000000000e-01, v14  }
0x5b: {  	v8 =	vmul.f32 $5.000000000e-01, v8;
	v18 =	vld [tilespmem:s28+$0x18700];
	(erf) = vrcp.f32 v13  }
0x5c: {  	(erf) = vrcp.f32 v14  }
0x5d: {  	(erf) = vrcp.f32 v8;
	_ =	sdelay $0x1  }
0x5e: {  	v19 =	vpop (erf)  }
0x5f: {  	v20 =	vpop (erf)  }
0x60: {  	v21 =	vpop (erf)  }
0x61: {  	v17 =	vld.idx.msk [tilespmem:v17+s26+$0x0], $0xffff;
	v22 =	vpop (erf)  }
0x62: {  	v18 =	vld.idx.msk [tilespmem:v18+s26+$0x0], $0xffff;
	v23 =	vpop (erf)  }
0x63: {  	v24 =	vpop (erf)  }
0x64: {  	v25 =	vpop (erf)  }
0x65: {  	v26 =	vpop (erf)  }
0x66: {  	v6 =	vmul.f32 v26, v6  }
0x67: {  	v17 =	vsub.f32 v18, v17;
	v18 =	vld [tilespmem:s28+$0x18710]  }
0x68: {  	v56 =	vld [tilespmem:s28+$0x18F10];
	v6 =	vadd.f32 v6, v8  }
0x69: {  	vm0 =	vlt.f32 v17, $0.0e+00;
	vm1 =	vgt.f32 v17, $0.0e+00;
	v8 =	vand.u32 $0x80000000, v17  }
0x6a: {  	vm0 =	vmor vm1, vm0;
	v8 =	vor.u32 v8, v0;
	v6 =	vmul.f32 $5.000000000e-01, v6  }
0x6b: {  	v8 =	vsel vm0, v8, v17  }
0x6c: {  	v8 =	vmul.f32 v6, v8  }
0x6d: {  	[tilespmem:s28+$0x1A700] =	vst v6  }
0x6e: {  	[tilespmem:s28+$0x19F00] =	vst v8  }
0x6f: {  	v6 =	vld.idx.msk [tilespmem:v18+s26+$0x0], $0xffff  }
0x70: {  	v8 =	vld.idx.msk [tilespmem:v56+s26+$0x0], $0xffff;
	_ =	sdelay $0x3  }
0x71: {  	v5 =	vmul.f32 v21, v5  }
0x72: {  	v6 =	vsub.f32 v6, v8;
	v8 =	vld [tilespmem:s28+$0x18720]  }
0x73: {  	v5 =	vadd.f32 v5, v7;
	v7 =	vld [tilespmem:s28+$0x18F20]  }
0x74: {  	v17 =	vand.u32 $0x80000000, v6;
	vm0 =	vlt.f32 v6, $0.0e+00;
	vm1 =	vgt.f32 v6, $0.0e+00  }
0x75: {  	v5 =	vmul.f32 $5.000000000e-01, v5;
	v17 =	vor.u32 v17, v0;
	vm0 =	vmor vm1, vm0  }
0x76: {  	v6 =	vsel vm0, v17, v6  }
0x77: {  	v6 =	vmul.f32 v5, v6  }
0x78: {  	[tilespmem:s28+$0x1A710] =	vst v5  }
0x79: {  	[tilespmem:s28+$0x19F10] =	vst v6  }
0x7a: {  	v5 =	vld.idx.msk [tilespmem:v8+s26+$0x0], $0xffff  }
0x7b: {  	v6 =	vld.idx.msk [tilespmem:v7+s26+$0x0], $0xffff;
	_ =	sdelay $0x3  }
0x7c: {  	v4 =	vmul.f32 v22, v4  }
0x7d: {  	v5 =	vsub.f32 v5, v6;
	v6 =	vld [tilespmem:s28+$0x18730]  }
0x7e: {  	v4 =	vadd.f32 v4, v11;
	v7 =	vld [tilespmem:s28+$0x18F30]  }
0x7f: {  	v8 =	vand.u32 $0x80000000, v5;
	vm0 =	vlt.f32 v5, $0.0e+00;
	vm1 =	vgt.f32 v5, $0.0e+00  }
0x80: {  	v4 =	vmul.f32 $5.000000000e-01, v4;
	v8 =	vor.u32 v8, v0;
	vm0 =	vmor vm1, vm0  }
0x81: {  	v5 =	vsel vm0, v8, v5  }
0x82: {  	v5 =	vmul.f32 v4, v5  }
0x83: {  	[tilespmem:s28+$0x1A720] =	vst v4  }
0x84: {  	[tilespmem:s28+$0x19F20] =	vst v5  }
0x85: {  	v4 =	vld.idx.msk [tilespmem:v6+s26+$0x0], $0xffff  }
0x86: {  	v5 =	vld.idx.msk [tilespmem:v7+s26+$0x0], $0xffff;
	_ =	sdelay $0x3  }
0x87: {  	v3 =	vmul.f32 v23, v3  }
0x88: {  	v4 =	vsub.f32 v4, v5;
	v5 =	vld [tilespmem:s28+$0x18740]  }
0x89: {  	v3 =	vadd.f32 v3, v12;
	v6 =	vld [tilespmem:s28+$0x18F40]  }
0x8a: {  	v7 =	vand.u32 $0x80000000, v4;
	vm0 =	vlt.f32 v4, $0.0e+00;
	vm1 =	vgt.f32 v4, $0.0e+00  }
0x8b: {  	v3 =	vmul.f32 $5.000000000e-01, v3;
	v7 =	vor.u32 v7, v0;
	vm0 =	vmor vm1, vm0  }
0x8c: {  	v4 =	vsel vm0, v7, v4  }
0x8d: {  	[tilespmem:s28+$0x1A730] =	vst v3;
	v3 =	vmul.f32 v3, v4  }
0x8e: {  	v2 =	vmul.f32 v24, v2  }
0x8f: {  	v4 =	vmul.f32 v19, v10;
	[tilespmem:s28+$0x19F30] =	vst v3  }
0x90: {  	v2 =	vadd.f32 v2, v13;
	v3 =	vld.idx.msk [tilespmem:v5+s26+$0x0], $0xffff  }
0x91: {  	v4 =	vadd.f32 v4, v15;
	v5 =	vld.idx.msk [tilespmem:v6+s26+$0x0], $0xffff  }
0x92: {  	v2 =	vmul.f32 $5.000000000e-01, v2  }
0x93: {  	v11 =	vld [tilespmem:s28+$0x18F50];
	v6 =	vmul.f32 v20, v9;
	v13 =	vmul.f32 $5.000000000e-01, v4  }
0x94: {  	s29 =	simm.s32 $0x80;
	v12 =	vld [tilespmem:s28+$0x18750];
	[tilespmem:s28+$0x1A740] =	vst v2  }
0x95: {  	v8 =	vld [tilespmem:s29+$0x19710];
	v6 =	vadd.f32 v6, v16;
	(erf) = vrcp.f32 v13  }
0x96: {  	v7 =	vld [tilespmem:s29+$0x19700];
	v3 =	vsub.f32 v3, v5  }
0x97: {  	v16 =	vmul.f32 $5.000000000e-01, v6;
	v6 =	vld [tilespmem:s29+$0x19720]  }
0x98: {  	v5 =	vld [tilespmem:s29+$0x19730];
	v4 =	vand.u32 $0x80000000, v3;
	vm0 =	vlt.f32 v3, $0.0e+00;
	vm1 =	vgt.f32 v3, $0.0e+00  }
0x99: {  	v19 =	vmul.f32 v25, v1;
	v15 =	vor.u32 v4, v0;
	vm0 =	vmor vm1, vm0  }
0x9a: {  	(erf) = vrcp.f32 v16;
	v17 =	vshra.s32 v8, $0x1;
	v4 =	vld [tilespmem:s29+$0x19740];
	v15 =	vsel vm0, v15, v3  }
0x9b: {  	v18 =	vshra.s32 v7, $0x1;
	v17 =	vadd.s32 $0x1FBD1DF5, v17;
	v3 =	vld [tilespmem:s29+$0x19750];
	v15 =	vmul.f32 v2, v15  }
0x9c: {  	v14 =	vadd.f32 v19, v14;
	v1 =	vld [tilespmem:s29+$0x19770];
	v18 =	vadd.s32 $0x1FBD1DF5, v18;
	(erf) = vrcp.f32 v17  }
0x9d: {  	v20 =	vshra.s32 v6, $0x1;
	(erf) = vrcp.f32 v18;
	v2 =	vld [tilespmem:s29+$0x19760];
	v19 =	vshra.s32 v5, $0x1;
	[tilespmem:s28+$0x19F40] =	vst v15  }
0x9e: {  	v19 =	vadd.s32 $0x1FBD1DF5, v19;
	v15 =	vadd.s32 $0x1FBD1DF5, v20;
	v21 =	vpop (erf);
	v12 =	vld.idx.msk [tilespmem:v12+s26+$0x0], $0xffff  }
0x9f: {  	v20 =	vshra.s32 v4, $0x1;
	(erf) = vrcp.f32 v15;
	v11 =	vld.idx.msk [tilespmem:v11+s26+$0x0], $0xffff;
	v10 =	vmul.f32 v21, v10  }
0xa0: {  	v20 =	vadd.s32 $0x1FBD1DF5, v20;
	v22 =	vshra.s32 v3, $0x1;
	(erf) = vrcp.f32 v19  }
0xa1: {  	v21 =	vadd.s32 $0x1FBD1DF5, v22;
	(erf) = vrcp.f32 v20  }
0xa2: {  	v10 =	vadd.f32 v10, v13;
	(erf) = vrcp.f32 v21  }
0xa3: {  	v14 =	vmul.f32 $5.000000000e-01, v14;
	v13 =	vshra.s32 v2, $0x1  }
0xa4: {  	v23 =	vshra.s32 v1, $0x1;
	v13 =	vadd.s32 $0x1FBD1DF5, v13;
	v22 =	vpop (erf);
	v11 =	vsub.f32 v12, v11  }
0xa5: {  	v23 =	vadd.s32 $0x1FBD1DF5, v23;
	(erf) = vrcp.f32 v13;
	v9 =	vmul.f32 v22, v9;
	v57 =	vpop (erf)  }
0xa6: {  	v22 =	vld [tilespmem:s28+$0x18760];
	(erf) = vrcp.f32 v23;
	v12 =	vmul.f32 $5.000000000e-01, v10;
	v10 =	vpop (erf);
	v59 =	vand.u32 $0x80000000, v11  }
0xa7: {  	v58 =	vld [tilespmem:s28+$0x18F60];
	vm0 =	vlt.f32 v11, $0.0e+00;
	vm1 =	vgt.f32 v11, $0.0e+00;
	v10 =	vmul.f32 v10, v7  }
0xa8: {  	v24 =	vmul.f32 v57, v8;
	vm0 =	vmor vm1, vm0;
	v26 =	vor.u32 v59, v0;
	v27 =	vpop (erf)  }
0xa9: {  	v11 =	vsel vm0, v26, v11;
	v10 =	vadd.f32 v18, v10;
	v27 =	vmul.f32 v27, v6;
	v60 =	vpop (erf)  }
0xaa: {  	v11 =	vmul.f32 v14, v11;
	v18 =	vmul.f32 v60, v5;
	v61 =	vpop (erf)  }
0xab: {  	[tilespmem:s28+$0x1A750] =	vst v14;
	v14 =	vadd.f32 v17, v24;
	v10 =	vmul.f32 $5.000000000e-01, v10;
	v17 =	vmul.f32 v61, v4;
	v62 =	vpop (erf)  }
0xac: {  	v15 =	vadd.f32 v15, v27;
	v19 =	vadd.f32 v19, v18;
	v24 =	vmul.f32 v62, v3  }
0xad: {  	[tilespmem:s28+$0x19F50] =	vst v11;
	v18 =	vmul.f32 $5.000000000e-01, v14;
	(erf) = vrcp.f32 v10;
	v11 =	vadd.f32 v20, v17  }
0xae: {  	v20 =	vld.idx.msk [tilespmem:v22+s26+$0x0], $0xffff;
	v17 =	vmul.f32 $5.000000000e-01, v15;
	v15 =	vmul.f32 $5.000000000e-01, v19  }
0xaf: {  	v22 =	vpop (erf);
	v19 =	vld.idx.msk [tilespmem:v58+s26+$0x0], $0xffff;
	v21 =	vadd.f32 v21, v24;
	(erf) = vrcp.f32 v18;
	v14 =	vmul.f32 $5.000000000e-01, v11  }
0xb0: {  	(erf) = vrcp.f32 v17;
	v11 =	vmul.f32 v22, v2  }
0xb1: {  	v9 =	vadd.f32 v9, v16;
	v22 =	vpop (erf);
	v16 =	vmul.f32 $5.000000000e-01, v21;
	(erf) = vrcp.f32 v15  }
0xb2: {  	v21 =	vmul.f32 v22, v1;
	(erf) = vrcp.f32 v14  }
0xb3: {  	v63 =	vadd.f32 v13, v11;
	(erf) = vrcp.f32 v16  }
0xb4: {  	v11 =	vadd.f32 v23, v21;
	v21 =	vld [tilespmem:s28+$0x18770];
	v22 =	vsub.f32 v20, v19  }
0xb5: {  	v13 =	vmul.f32 $5.000000000e-01, v9;
	v9 =	vmul.f32 $5.000000000e-01, v63;
	v20 =	vld [tilespmem:s28+$0x18F70]  }
0xb6: {  	v23 =	vand.u32 $0x80000000, v22;
	vm0 =	vlt.f32 v22, $0.0e+00;
	vm1 =	vgt.f32 v22, $0.0e+00  }
0xb7: {  	s30 =	simm.s32 $0x400;
	[tilespmem:s28+$0x1A760] =	vst v12;
	v19 =	vpop (erf);
	(erf) = vrcp.f32 v9;
	v23 =	vor.u32 v23, v0;
	vm0 =	vmor vm1, vm0  }
.LBB2_3:
0xb8: {  	p0 =	sne.s32 s30, $0x1E00;
	v11 =	vmul.f32 $5.000000000e-01, v11;
	v24 =	vpop (erf);
	v22 =	vsel vm0, v23, v22;
	s31 =	smov.u32 s30;
	s30 =	sadd.s32 $0x200, s30  }
0xb9: {  	v23 =	vmul.f32 v24, v8;
	v24 =	vpop (erf);
	v12 =	vmul.f32 v12, v22  }
0xba: {  	v25 =	vmul.f32 v24, v6;
	v24 =	vpop (erf);
	(erf) = vrcp.f32 v11  }
0xbb: {  	v18 =	vadd.f32 v23, v18;
	v23 =	vmul.f32 v24, v5;
	v24 =	vpop (erf);
	[tilespmem:s28+$0x19F60] =	vst v12  }
0xbc: {  	v12 =	vadd.f32 v25, v17;
	v17 =	vmul.f32 v24, v4;
	v22 =	vpop (erf);
	v21 =	vld.idx.msk [tilespmem:v21+s26+$0x0], $0xffff  }
0xbd: {  	v18 =	vmul.f32 $5.000000000e-01, v18;
	v15 =	vadd.f32 v23, v15;
	v22 =	vmul.f32 v22, v3;
	v20 =	vld.idx.msk [tilespmem:v20+s26+$0x0], $0xffff  }
0xbe: {  	v12 =	vmul.f32 $5.000000000e-01, v12;
	v14 =	vadd.f32 v17, v14;
	[tilespmem:s28+$0x1A770] =	vst v13  }
0xbf: {  	v15 =	vmul.f32 $5.000000000e-01, v15;
	v16 =	vadd.f32 v22, v16;
	(erf) = vrcp.f32 v18  }
0xc0: {  	v14 =	vmul.f32 $5.000000000e-01, v14;
	(erf) = vrcp.f32 v12;
	v17 =	vpop (erf)  }
0xc1: {  	v16 =	vmul.f32 $5.000000000e-01, v16;
	(erf) = vrcp.f32 v15  }
0xc2: {  	v19 =	vmul.f32 v19, v7;
	(erf) = vrcp.f32 v14  }
0xc3: {  	v17 =	vmul.f32 v17, v2;
	v20 =	vsub.f32 v21, v20;
	(erf) = vrcp.f32 v16;
	v22 =	vpop (erf)  }
0xc4: {  	v10 =	vadd.f32 v19, v10;
	v21 =	vld [tilespmem:s29+$0x18F00];
	v19 =	vmul.f32 v22, v1  }
0xc5: {  	v23 =	vand.u32 $0x80000000, v20;
	vm0 =	vlt.f32 v20, $0.0e+00;
	vm1 =	vgt.f32 v20, $0.0e+00;
	v22 =	vld [tilespmem:s29+$0x18700]  }
0xc6: {  	v10 =	vmul.f32 $5.000000000e-01, v10;
	v23 =	vor.u32 v23, v0;
	vm0 =	vmor vm1, vm0  }
0xc7: {  	v9 =	vadd.f32 v17, v9;
	v24 =	vadd.f32 v19, v11;
	v20 =	vsel vm0, v23, v20  }
0xc8: {  	v13 =	vmul.f32 v13, v20;
	(erf) = vrcp.f32 v10;
	v19 =	vpop (erf)  }
0xc9: {  	v9 =	vmul.f32 $5.000000000e-01, v9;
	v8 =	vmul.f32 v19, v8;
	v17 =	vpop (erf)  }
0xca: {  	v6 =	vmul.f32 v17, v6;
	v17 =	vmul.f32 $5.000000000e-01, v24;
	v11 =	vpop (erf);
	[tilespmem:s28+$0x19F70] =	vst v13;
	s28 =	smov.u32 s29  }
0xcb: {  	v8 =	vadd.f32 v8, v18;
	v5 =	vmul.f32 v11, v5;
	v11 =	vpop (erf);
	(erf) = vrcp.f32 v9  }
0xcc: {  	v13 =	vld.idx.msk [tilespmem:v21+s26+$0x0], $0xffff;
	v6 =	vadd.f32 v6, v12;
	v4 =	vmul.f32 v11, v4;
	v11 =	vpop (erf);
	(erf) = vrcp.f32 v17  }
0xcd: {  	v12 =	vld.idx.msk [tilespmem:v22+s26+$0x0], $0xffff;
	v5 =	vadd.f32 v5, v15;
	v3 =	vmul.f32 v11, v3  }
0xce: {  	v4 =	vadd.f32 v4, v14  }
0xcf: {  	v11 =	vadd.f32 v3, v16;
	_ =	sdelay $0x1  }
0xd0: {  	v3 =	vpop (erf)  }
0xd1: {  	v3 =	vmul.f32 v3, v7;
	v7 =	vld [tilespmem:s28+$0x18F10]  }
0xd2: {  	v12 =	vsub.f32 v12, v13;
	v13 =	vld [tilespmem:s28+$0x18710]  }
0xd3: {  	v3 =	vadd.f32 v3, v10;
	v10 =	vpop (erf)  }
0xd4: {  	v14 =	vand.u32 $0x80000000, v12;
	vm0 =	vlt.f32 v12, $0.0e+00;
	vm1 =	vgt.f32 v12, $0.0e+00;
	v15 =	vpop (erf)  }
0xd5: {  	v14 =	vor.u32 v14, v0;
	vm0 =	vmor vm1, vm0;
	v3 =	vmul.f32 $5.000000000e-01, v3  }
0xd6: {  	v2 =	vmul.f32 v10, v2;
	v12 =	vsel vm0, v14, v12;
	v1 =	vmul.f32 v15, v1  }
0xd7: {  	v12 =	vmul.f32 v3, v12  }
0xd8: {  	v10 =	vadd.f32 v2, v9;
	v9 =	vadd.f32 v1, v17;
	[tilespmem:s28+$0x1A700] =	vst v3  }
0xd9: {  	[tilespmem:s28+$0x19F00] =	vst v12  }
0xda: {  	v1 =	vld.idx.msk [tilespmem:v13+s26+$0x0], $0xffff  }
0xdb: {  	v2 =	vld.idx.msk [tilespmem:v7+s26+$0x0], $0xffff;
	_ =	sdelay $0x4  }
0xdc: {  	v3 =	vld [tilespmem:s28+$0x18F20]  }
0xdd: {  	v1 =	vsub.f32 v1, v2;
	v2 =	vld [tilespmem:s28+$0x18720];
	_ =	sdelay $0x1  }
0xde: {  	v7 =	vand.u32 $0x80000000, v1;
	vm0 =	vlt.f32 v1, $0.0e+00;
	vm1 =	vgt.f32 v1, $0.0e+00  }
0xdf: {  	v8 =	vmul.f32 $5.000000000e-01, v8;
	v7 =	vor.u32 v7, v0;
	vm0 =	vmor vm1, vm0  }
0xe0: {  	v1 =	vsel vm0, v7, v1  }
0xe1: {  	v1 =	vmul.f32 v8, v1  }
0xe2: {  	[tilespmem:s28+$0x1A710] =	vst v8  }
0xe3: {  	[tilespmem:s28+$0x19F10] =	vst v1  }
0xe4: {  	v1 =	vld.idx.msk [tilespmem:v2+s26+$0x0], $0xffff  }
0xe5: {  	v2 =	vld.idx.msk [tilespmem:v3+s26+$0x0], $0xffff;
	_ =	sdelay $0x4  }
0xe6: {  	v3 =	vld [tilespmem:s28+$0x18F30]  }
0xe7: {  	v1 =	vsub.f32 v1, v2;
	v2 =	vld [tilespmem:s28+$0x18730];
	_ =	sdelay $0x1  }
0xe8: {  	v7 =	vand.u32 $0x80000000, v1;
	vm0 =	vlt.f32 v1, $0.0e+00;
	vm1 =	vgt.f32 v1, $0.0e+00  }
0xe9: {  	v6 =	vmul.f32 $5.000000000e-01, v6;
	v7 =	vor.u32 v7, v0;
	vm0 =	vmor vm1, vm0  }
0xea: {  	v1 =	vsel vm0, v7, v1  }
0xeb: {  	v1 =	vmul.f32 v6, v1  }
0xec: {  	[tilespmem:s28+$0x1A720] =	vst v6  }
0xed: {  	[tilespmem:s28+$0x19F20] =	vst v1  }
0xee: {  	v1 =	vld.idx.msk [tilespmem:v2+s26+$0x0], $0xffff;
	v2 =	vmul.f32 $5.000000000e-01, v5  }
0xef: {  	v3 =	vld.idx.msk [tilespmem:v3+s26+$0x0], $0xffff  }
0xf0: {  	[tilespmem:s28+$0x1A730] =	vst v2;
	_ =	sdelay $0x3  }
0xf1: {  	v5 =	vld [tilespmem:s28+$0x18F40]  }
0xf2: {  	v1 =	vsub.f32 v1, v3;
	v3 =	vld [tilespmem:s28+$0x18740];
	_ =	sdelay $0x1  }
0xf3: {  	v6 =	vand.u32 $0x80000000, v1;
	vm0 =	vlt.f32 v1, $0.0e+00;
	vm1 =	vgt.f32 v1, $0.0e+00  }
0xf4: {  	v6 =	vor.u32 v6, v0;
	vm0 =	vmor vm1, vm0  }
0xf5: {  	v1 =	vsel vm0, v6, v1  }
0xf6: {  	v1 =	vmul.f32 v2, v1;
	_ =	sdelay $0x1  }
0xf7: {  	[tilespmem:s28+$0x19F30] =	vst v1  }
0xf8: {  	v2 =	vmul.f32 $5.000000000e-01, v4;
	v1 =	vld.idx.msk [tilespmem:v3+s26+$0x0], $0xffff  }
0xf9: {  	v3 =	vld.idx.msk [tilespmem:v5+s26+$0x0], $0xffff  }
0xfa: {  	[tilespmem:s28+$0x1A740] =	vst v2;
	_ =	sdelay $0x2  }
0xfb: {  	v12 =	vld [tilespmem:s28+$0x18F50]  }
0xfc: {  	s29 =	sshra.s32 s31, $0x2;
	v13 =	vld [tilespmem:s28+$0x18750]  }
0xfd: {  	v1 =	vsub.f32 v1, v3;
	v8 =	vld [tilespmem:s29+$0x19710]  }
0xfe: {  	v7 =	vld [tilespmem:s29+$0x19700]  }
0xff: {  	v3 =	vand.u32 $0x80000000, v1;
	vm0 =	vlt.f32 v1, $0.0e+00;
	vm1 =	vgt.f32 v1, $0.0e+00;
	v6 =	vld [tilespmem:s29+$0x19720]  }
0x100: {  	v3 =	vor.u32 v3, v0;
	vm0 =	vmor vm1, vm0;
	v5 =	vld [tilespmem:s29+$0x19730]  }
0x101: {  	v1 =	vsel vm0, v3, v1;
	v4 =	vld [tilespmem:s29+$0x19740]  }
0x102: {  	v15 =	vmul.f32 v2, v1;
	v14 =	vshra.s32 v8, $0x1;
	v3 =	vld [tilespmem:s29+$0x19750]  }
0x103: {  	v11 =	vmul.f32 $5.000000000e-01, v11;
	v1 =	vshra.s32 v7, $0x1;
	v14 =	vadd.s32 $0x1FBD1DF5, v14;
	v2 =	vld [tilespmem:s29+$0x19760]  }
0x104: {  	v16 =	vadd.s32 $0x1FBD1DF5, v1;
	v17 =	vshra.s32 v6, $0x1;
	v1 =	vld [tilespmem:s29+$0x19770];
	(erf) = vrcp.f32 v14;
	[tilespmem:s28+$0x19F40] =	vst v15  }
0x105: {  	v15 =	vadd.s32 $0x1FBD1DF5, v17;
	v17 =	vshra.s32 v5, $0x1;
	(erf) = vrcp.f32 v16;
	v13 =	vld.idx.msk [tilespmem:v13+s26+$0x0], $0xffff  }
0x106: {  	v17 =	vadd.s32 $0x1FBD1DF5, v17;
	v18 =	vshra.s32 v4, $0x1;
	(erf) = vrcp.f32 v15;
	v12 =	vld.idx.msk [tilespmem:v12+s26+$0x0], $0xffff  }
0x107: {  	v19 =	vadd.s32 $0x1FBD1DF5, v18;
	v18 =	vshra.s32 v3, $0x1;
	(erf) = vrcp.f32 v17;
	[tilespmem:s28+$0x1A750] =	vst v11  }
0x108: {  	v20 =	vadd.s32 $0x1FBD1DF5, v18;
	v18 =	vshra.s32 v2, $0x1;
	(erf) = vrcp.f32 v19  }
0x109: {  	v21 =	vadd.s32 $0x1FBD1DF5, v18;
	v18 =	vshra.s32 v1, $0x1;
	(erf) = vrcp.f32 v20  }
0x10a: {  	v22 =	vadd.s32 $0x1FBD1DF5, v18;
	(erf) = vrcp.f32 v21  }
0x10b: {  	(erf) = vrcp.f32 v22;
	v23 =	vld [tilespmem:s28+$0x18F60]  }
0x10c: {  	v13 =	vsub.f32 v13, v12;
	v24 =	vld [tilespmem:s28+$0x18760]  }
0x10d: {  	v12 =	vmul.f32 $5.000000000e-01, v10;
	v18 =	vpop (erf)  }
0x10e: {  	v25 =	vand.u32 $0x80000000, v13;
	vm0 =	vlt.f32 v13, $0.0e+00;
	vm1 =	vgt.f32 v13, $0.0e+00;
	v10 =	vpop (erf)  }
0x10f: {  	v28 =	vor.u32 v25, v0;
	vm0 =	vmor vm1, vm0;
	v10 =	vmul.f32 v10, v7;
	v26 =	vpop (erf)  }
0x110: {  	v29 =	vmul.f32 v18, v8;
	v13 =	vsel vm0, v28, v13;
	v30 =	vmul.f32 v26, v6;
	v27 =	vpop (erf)  }
0x111: {  	v11 =	vmul.f32 v11, v13;
	v10 =	vadd.f32 v16, v10;
	v16 =	vmul.f32 v27, v5;
	v25 =	vpop (erf)  }
0x112: {  	v27 =	vadd.f32 v14, v29;
	v14 =	vadd.f32 v15, v30;
	v15 =	vmul.f32 v25, v4;
	v18 =	vpop (erf)  }
0x113: {  	v10 =	vmul.f32 $5.000000000e-01, v10;
	v16 =	vadd.f32 v17, v16;
	v25 =	vmul.f32 v18, v3;
	v26 =	vpop (erf);
	[tilespmem:s28+$0x19F50] =	vst v11  }
0x114: {  	v18 =	vmul.f32 $5.000000000e-01, v27;
	v17 =	vmul.f32 $5.000000000e-01, v14;
	v11 =	vadd.f32 v19, v15;
	v13 =	vpop (erf);
	v19 =	vld.idx.msk [tilespmem:v24+s26+$0x0], $0xffff  }
0x115: {  	v15 =	vmul.f32 $5.000000000e-01, v16;
	v16 =	vadd.f32 v20, v25;
	(erf) = vrcp.f32 v10;
	v23 =	vld.idx.msk [tilespmem:v23+s26+$0x0], $0xffff  }
0x116: {  	v14 =	vmul.f32 $5.000000000e-01, v11;
	(erf) = vrcp.f32 v18;
	[tilespmem:s28+$0x1A760] =	vst v12  }
0x117: {  	v16 =	vmul.f32 $5.000000000e-01, v16;
	(erf) = vrcp.f32 v17  }
0x118: {  	v11 =	vmul.f32 v26, v2;
	(erf) = vrcp.f32 v15  }
0x119: {  	v13 =	vmul.f32 v13, v1;
	(erf) = vrcp.f32 v14  }
.Ltmp0:
0x11a: {  	v24 =	vadd.f32 v21, v11;
	(erf) = vrcp.f32 v16;
	v20 =	vld [tilespmem:s28+$0x18F70];
	(pc) =	sbr.rel @p0 .LBB2_3-.Ltmp0, $4  }
0x11b: {  	v11 =	vadd.f32 v22, v13;
	v13 =	vmul.f32 $5.000000000e-01, v9;
	v22 =	vsub.f32 v19, v23;
	v21 =	vld [tilespmem:s28+$0x18770]  }
0x11c: {  	v9 =	vmul.f32 $5.000000000e-01, v24  }
0x11d: {  	v23 =	vand.u32 $0x80000000, v22;
	vm0 =	vlt.f32 v22, $0.0e+00;
	vm1 =	vgt.f32 v22, $0.0e+00  }
0x11e: {  	v23 =	vor.u32 v23, v0;
	vm0 =	vmor vm1, vm0;
	v19 =	vpop (erf);
	(erf) = vrcp.f32 v9  }
0x11f: {  	_ = 	snop  }
0x120: {  	v24 =	vpop (erf);
	v22 =	vsel vm0, v23, v22  }
0x121: {  	v49 =	vpop (erf);
	v24 =	vmul.f32 v24, v8;
	v12 =	vmul.f32 v12, v22  }
0x122: {  	v50 =	vpop (erf);
	v23 =	vmul.f32 v49, v6  }
0x123: {  	v11 =	vmul.f32 $5.000000000e-01, v11;
	v22 =	vmul.f32 v50, v5;
	v18 =	vadd.f32 v24, v18;
	v51 =	vpop (erf);
	[tilespmem:s28+$0x19F60] =	vst v12  }
0x124: {  	v56 =	vmul.f32 v19, v7;
	v52 =	vadd.f32 v23, v17;
	v53 =	vmul.f32 v51, v4;
	v54 =	vpop (erf);
	v21 =	vld.idx.msk [tilespmem:v21+s26+$0x0], $0xffff  }
0x125: {  	v20 =	vld.idx.msk [tilespmem:v20+s26+$0x0], $0xffff;
	v15 =	vadd.f32 v22, v15;
	v18 =	vmul.f32 $5.000000000e-01, v18;
	v55 =	vmul.f32 v54, v3  }
0x126: {  	(erf) = vrcp.f32 v11;
	v12 =	vmul.f32 $5.000000000e-01, v52;
	v14 =	vadd.f32 v53, v14  }
0x127: {  	v15 =	vmul.f32 $5.000000000e-01, v15;
	v16 =	vadd.f32 v55, v16;
	(erf) = vrcp.f32 v18  }
0x128: {  	v14 =	vmul.f32 $5.000000000e-01, v14;
	(erf) = vrcp.f32 v12  }
0x129: {  	v10 =	vadd.f32 v56, v10;
	[tilespmem:s28+$0x1A770] =	vst v13;
	v16 =	vmul.f32 $5.000000000e-01, v16;
	(erf) = vrcp.f32 v15  }
0x12a: {  	v58 =	vld [tilespmem:s29+$0x18F00];
	v57 =	vsub.f32 v21, v20;
	(erf) = vrcp.f32 v14  }
0x12b: {  	v10 =	vmul.f32 $5.000000000e-01, v10;
	v59 =	vld [tilespmem:s29+$0x18700];
	(erf) = vrcp.f32 v16  }
0x12c: {  	v21 =	vand.u32 $0x80000000, v57;
	vm11 =	vlt.f32 v57, $0.0e+00;
	vm1 =	vgt.f32 v57, $0.0e+00  }
0x12d: {  	v21 =	vor.u32 v21, v0;
	vm0 =	vmor vm1, vm11;
	(erf) = vrcp.f32 v10  }
0x12e: {  	v17 =	vsel vm0, v21, v57  }
0x12f: {  	v60 =	vpop (erf);
	v61 =	vmul.f32 v13, v17  }
0x130: {  	v62 =	vpop (erf)  }
0x131: {  	v63 =	vpop (erf);
	[tilespmem:s28+$0x19F70] =	vst v61  }
0x132: {  	v28 =	vpop (erf);
	v19 =	vld.idx.msk [tilespmem:v58+s26+$0x0], $0xffff  }
0x133: {  	v20 =	vld.idx.msk [tilespmem:v59+s26+$0x0], $0xffff;
	v29 =	vpop (erf)  }
0x134: {  	v30 =	vpop (erf)  }
0x135: {  	v25 =	vpop (erf)  }
0x136: {  	v26 =	vpop (erf)  }
0x137: {  	v31 =	vmul.f32 v26, v7  }
0x138: {  	v32 =	vld [tilespmem:s29+$0x18710];
	v19 =	vsub.f32 v20, v19  }
0x139: {  	v33 =	vld [tilespmem:s29+$0x18F10];
	v7 =	vadd.f32 v31, v10  }
0x13a: {  	v34 =	vand.u32 $0x80000000, v19;
	vm12 =	vlt.f32 v19, $0.0e+00;
	vm13 =	vgt.f32 v19, $0.0e+00  }
0x13b: {  	vm0 =	vmor vm13, vm12;
	v10 =	vor.u32 v34, v0;
	v7 =	vmul.f32 $5.000000000e-01, v7  }
0x13c: {  	v10 =	vsel vm0, v10, v19  }
0x13d: {  	v10 =	vmul.f32 v7, v10  }
0x13e: {  	[tilespmem:s29+$0x1A700] =	vst v7  }
0x13f: {  	[tilespmem:s29+$0x19F00] =	vst v10  }
0x140: {  	v7 =	vld.idx.msk [tilespmem:v32+s26+$0x0], $0xffff  }
0x141: {  	v10 =	vld.idx.msk [tilespmem:v33+s26+$0x0], $0xffff;
	_ =	sdelay $0x3  }
0x142: {  	v35 =	vmul.f32 v63, v8  }
0x143: {  	v36 =	vld [tilespmem:s29+$0x18720];
	v7 =	vsub.f32 v7, v10  }
0x144: {  	v37 =	vld [tilespmem:s29+$0x18F20];
	v8 =	vadd.f32 v35, v18  }
0x145: {  	v38 =	vand.u32 $0x80000000, v7;
	vm14 =	vlt.f32 v7, $0.0e+00;
	vm15 =	vgt.f32 v7, $0.0e+00  }
0x146: {  	v8 =	vmul.f32 $5.000000000e-01, v8;
	v19 =	vor.u32 v38, v0;
	vm0 =	vmor vm15, vm14  }
0x147: {  	v7 =	vsel vm0, v19, v7  }
0x148: {  	v7 =	vmul.f32 v8, v7  }
0x149: {  	[tilespmem:s29+$0x1A710] =	vst v8  }
0x14a: {  	[tilespmem:s29+$0x19F10] =	vst v7  }
0x14b: {  	v7 =	vld.idx.msk [tilespmem:v36+s26+$0x0], $0xffff  }
0x14c: {  	v8 =	vld.idx.msk [tilespmem:v37+s26+$0x0], $0xffff;
	_ =	sdelay $0x3  }
0x14d: {  	v39 =	vmul.f32 v28, v6  }
0x14e: {  	v40 =	vld [tilespmem:s29+$0x18730];
	v7 =	vsub.f32 v7, v8  }
0x14f: {  	v41 =	vld [tilespmem:s29+$0x18F30];
	v6 =	vadd.f32 v39, v12  }
0x150: {  	v42 =	vand.u32 $0x80000000, v7;
	vm4 =	vlt.f32 v7, $0.0e+00;
	vm5 =	vgt.f32 v7, $0.0e+00  }
0x151: {  	v6 =	vmul.f32 $5.000000000e-01, v6;
	v12 =	vor.u32 v42, v0;
	vm0 =	vmor vm5, vm4  }
0x152: {  	v7 =	vsel vm0, v12, v7  }
0x153: {  	v7 =	vmul.f32 v6, v7  }
0x154: {  	[tilespmem:s29+$0x1A720] =	vst v6  }
0x155: {  	[tilespmem:s29+$0x19F20] =	vst v7  }
0x156: {  	v6 =	vld.idx.msk [tilespmem:v40+s26+$0x0], $0xffff  }
0x157: {  	v7 =	vld.idx.msk [tilespmem:v41+s26+$0x0], $0xffff;
	_ =	sdelay $0x3  }
0x158: {  	v43 =	vmul.f32 v29, v5  }
0x159: {  	v44 =	vld [tilespmem:s29+$0x18740];
	v6 =	vsub.f32 v6, v7  }
0x15a: {  	v45 =	vld [tilespmem:s29+$0x18F40];
	v5 =	vadd.f32 v43, v15  }
0x15b: {  	v46 =	vand.u32 $0x80000000, v6;
	vm6 =	vlt.f32 v6, $0.0e+00;
	vm7 =	vgt.f32 v6, $0.0e+00  }
0x15c: {  	v5 =	vmul.f32 $5.000000000e-01, v5;
	v10 =	vor.u32 v46, v0;
	vm0 =	vmor vm7, vm6  }
0x15d: {  	v6 =	vsel vm0, v10, v6  }
0x15e: {  	[tilespmem:s29+$0x1A730] =	vst v5;
	v5 =	vmul.f32 v5, v6;
	_ =	sdelay $0x1  }
0x15f: {  	[tilespmem:s29+$0x19F30] =	vst v5  }
0x160: {  	v5 =	vld.idx.msk [tilespmem:v44+s26+$0x0], $0xffff  }
0x161: {  	v48 =	vld.idx.msk [tilespmem:v45+s26+$0x0], $0xffff;
	_ =	sdelay $0x3  }
0x162: {  	v47 =	vmul.f32 v30, v4  }
0x163: {  	v49 =	vld [tilespmem:s29+$0x18750];
	v5 =	vsub.f32 v5, v48  }
0x164: {  	v50 =	vld [tilespmem:s29+$0x18F50];
	v4 =	vadd.f32 v47, v14  }
0x165: {  	v51 =	vand.u32 $0x80000000, v5;
	vm8 =	vlt.f32 v5, $0.0e+00;
	vm9 =	vgt.f32 v5, $0.0e+00  }
0x166: {  	v4 =	vmul.f32 $5.000000000e-01, v4;
	v8 =	vor.u32 v51, v0;
	vm0 =	vmor vm9, vm8  }
0x167: {  	v5 =	vsel vm0, v8, v5  }
0x168: {  	[tilespmem:s29+$0x1A740] =	vst v4;
	v4 =	vmul.f32 v4, v5;
	_ =	sdelay $0x1  }
0x169: {  	[tilespmem:s29+$0x19F40] =	vst v4  }
0x16a: {  	v4 =	vld.idx.msk [tilespmem:v49+s26+$0x0], $0xffff  }
0x16b: {  	v52 =	vmul.f32 v60, v2;
	v6 =	vld.idx.msk [tilespmem:v50+s26+$0x0], $0xffff;
	_ =	sdelay $0x1  }
0x16c: {  	v53 =	vadd.f32 v52, v9;
	_ =	sdelay $0x1  }
0x16d: {  	v3 =	vmul.f32 v25, v3;
	v5 =	vmul.f32 $5.000000000e-01, v53  }
0x16e: {  	v54 =	vld [tilespmem:s29+$0x18760];
	v4 =	vsub.f32 v4, v6  }
0x16f: {  	v55 =	vld [tilespmem:s29+$0x18F60];
	v3 =	vadd.f32 v3, v16;
	(erf) = vrcp.f32 v5  }
0x170: {  	v56 =	vand.u32 $0x80000000, v4;
	vm10 =	vlt.f32 v4, $0.0e+00;
	vm11 =	vgt.f32 v4, $0.0e+00  }
0x171: {  	v3 =	vmul.f32 $5.000000000e-01, v3;
	v8 =	vor.u32 v56, v0;
	vm0 =	vmor vm11, vm10  }
0x172: {  	v4 =	vsel vm0, v8, v4  }
0x173: {  	[tilespmem:s29+$0x1A750] =	vst v3;
	v3 =	vmul.f32 v3, v4;
	_ =	sdelay $0x1  }
0x174: {  	[tilespmem:s29+$0x19F50] =	vst v3  }
0x175: {  	v3 =	vld.idx.msk [tilespmem:v54+s26+$0x0], $0xffff  }
0x176: {  	v58 =	vld.idx.msk [tilespmem:v55+s26+$0x0], $0xffff  }
0x177: {  	v57 =	vpop (erf)  }
0x178: {  	v59 =	vmul.f32 v62, v1;
	v2 =	vmul.f32 v57, v2;
	_ =	sdelay $0x1  }
0x179: {  	v2 =	vadd.f32 v2, v5;
	v5 =	vadd.f32 v59, v11  }
0x17a: {  	v60 =	vld [tilespmem:s29+$0x18770];
	v3 =	vsub.f32 v3, v58  }
0x17b: {  	v61 =	vld [tilespmem:s29+$0x18F70];
	v2 =	vmul.f32 $5.000000000e-01, v2;
	v5 =	vmul.f32 $5.000000000e-01, v5  }
0x17c: {  	v62 =	vand.u32 $0x80000000, v3;
	vm12 =	vlt.f32 v3, $0.0e+00;
	vm13 =	vgt.f32 v3, $0.0e+00  }
0x17d: {  	(erf) = vrcp.f32 v5;
	v7 =	vor.u32 v62, v0;
	vm0 =	vmor vm13, vm12  }
0x17e: {  	v3 =	vsel vm0, v7, v3  }
0x17f: {  	[tilespmem:s29+$0x1A760] =	vst v2;
	v2 =	vmul.f32 v2, v3;
	_ =	sdelay $0x1  }
0x180: {  	[tilespmem:s29+$0x19F60] =	vst v2  }
0x181: {  	v2 =	vld.idx.msk [tilespmem:v60+s26+$0x0], $0xffff  }
0x182: {  	v3 =	vld.idx.msk [tilespmem:v61+s26+$0x0], $0xffff;
	_ =	sdelay $0x2  }
0x183: {  	v63 =	vpop (erf)  }
0x184: {  	v1 =	vmul.f32 v63, v1  }
0x185: {  	v2 =	vsub.f32 v2, v3  }
0x186: {  	v1 =	vadd.f32 v1, v5  }
0x187: {  	v3 =	vand.u32 $0x80000000, v2;
	vm14 =	vlt.f32 v2, $0.0e+00;
	vm15 =	vgt.f32 v2, $0.0e+00  }
0x188: {  	v1 =	vmul.f32 $5.000000000e-01, v1;
	v3 =	vor.u32 v3, v0;
	vm0 =	vmor vm15, vm14  }
0x189: {  	v2 =	vsel vm0, v3, v2  }
0x18a: {  	v2 =	vmul.f32 v1, v2  }
0x18b: {  	[tilespmem:s29+$0x1A770] =	vst v1  }
0x18c: {  	s30 =	simm.s32 $0x19F00;
	s28 =	simm.s32 $0x18F00;
	[tilespmem:s29+$0x19F70] =	vst v2  }
0x18d: {  	[spmem:s1] =	stream.indirect.scatter.add.f32 [tilespmem:s30], [sflag:$0x1], $0x1, s28, s21, $0xb8;
	[tilespmem:$0x1E000] =	vst v63  }
0x18e: {  	_ =	swait.ge [sflag:s16], $0x80  }
0x18f: {  	[sflag:s16] =	ssyncset.done $0x0  }
0x190: {  	s31 =	simm.s32 $0x1A700;
	[sflag:s16] =	ssyncadd.s32 $0xFFFFFF80  }
0x191: {  	[spmem:s3] =	stream.indirect.scatter.add.f32 [tilespmem:s31], [sflag:$0x1], $0x1, s28, s21, $0xb8;
	[tilespmem:$0x1E000] =	vst v63  }
0x192: {  	_ =	swait.ge [sflag:s16], $0x80  }
0x193: {  	s26 =	simm.s32 $0x80;
	s28 =	simm.s32 $0x400;
	[sflag:s16] =	ssyncset.done $0x0  }
.LBB2_5:
0x194: {  	s29 =	sadd.s32 $0x19F00, s26  }
0x195: {  	s30 =	sadd.s32 $0x18F00, s26;
	[sflag:s16] =	ssyncadd.s32 $0xFFFFFF80;
	s31 =	smov.u32 s28  }
0x196: {  	[spmem:s1] =	stream.indirect.scatter.add.f32 [tilespmem:s29], [sflag:$0x1], $0x1, s30, s21, $0xb8;
	[tilespmem:$0x1E000] =	vst v63  }
0x197: {  	p0 =	sne.s32 s28, $0x1E00;
	s28 =	sadd.s32 $0x200, s28;
	_ =	swait.ge [sflag:s16], $0x80  }
.Ltmp1:
0x198: {  	[sflag:s16] =	ssyncset.done $0x0;
	(pc) =	sbr.rel @p0 .LBB2_5-.Ltmp1, $4  }
0x199: {  	s26 =	sadd.s32 $0x1A700, s26;
	[sflag:s16] =	ssyncadd.s32 $0xFFFFFF80  }
0x19a: {  	[spmem:s3] =	stream.indirect.scatter.add.f32 [tilespmem:s26], [sflag:$0x1], $0x1, s30, s21, $0xb8;
	[tilespmem:$0x1E000] =	vst v63  }
0x19b: {  	_ =	swait.ge [sflag:s16], $0x80  }
0x19c: {  	s26 =	sshra.s32 s31, $0x2;
	[sflag:s16] =	ssyncset.done $0x0  }
0x19d: {  	s28 =	sadd.s32 $0x19F00, s26;
	s29 =	sadd.s32 $0x18F00, s26;
	[sflag:s16] =	ssyncadd.s32 $0xFFFFFF80  }
0x19e: {  	[spmem:s1] =	stream.indirect.scatter.add.f32 [tilespmem:s28], [sflag:$0x1], $0x1, s29, s21, $0xb8;
	[tilespmem:$0x1E000] =	vst v63  }
0x19f: {  	s25 =	sadd.s32 $0x1, s25;
	_ =	swait.ge [sflag:s16], $0x80  }
0x1a0: {  	p0 =	sne.s32 s25, $0x31;
	[sflag:s16] =	ssyncset.done $0x0  }
.Ltmp2:
0x1a1: {  	s31 =	sadd.s32 $0x1A700, s26;
	[sflag:s16] =	ssyncadd.s32 $0xFFFFFF80;
	(pc) =	sbr.rel @p0 .LBB2_2-.Ltmp2, $4  }
0x1a2: {  	[spmem:s3] =	stream.indirect.scatter.add.f32 [tilespmem:s31], [sflag:$0x1], $0x1, s29, s21, $0xb8;
	[tilespmem:$0x1E000] =	vst v63  }
0x1a3: {  	_ =	swait.ge [sflag:s16], $0x80  }
0x1a4: {  	[sflag:s16] =	ssyncset.done $0x0  }
0x1a5: {  	[sflag:s16] =	ssyncadd.s32 $0xFFFFFF80  }
0x1a6: {  	[bflag:$0x0] =	sbarrier.arrive $0xFFFF  }
0x1a7: {  	[hbm:s12@s22], [sflag:s10] =	dma.strided [spmem:s15@s23], $0x310, s16, $0x10   }
0x1a8: {  	s24 =	sadd.s32 $0x1, s24;
	_ =	swait.ge [sflag:s16], $0x310  }
0x1a9: {  	p0 =	sne.s32 s24, s14;
	[sflag:s16] =	ssyncset.done $0x0  }
.Ltmp3:
0x1aa: {  	[sflag:s16] =	ssyncadd.s32 $0xFFFFFCF0;
	(pc) =	sbr.rel @p0 .LBB2_1-.Ltmp3, $4  }
0x1ab: {  	[hbm:s13@s22], [sflag:s10] =	dma.strided [spmem:s17@s23], $0x310, s16, $0x10   }
0x1ac: {  	_ =	swait.ge [sflag:s16], $0x310  }
0x1ad: {  	[sflag:s16] =	ssyncset.done $0x0  }
0x1ae: {  	[sflag:s16] =	ssyncadd.s32 $0xFFFFFCF0  }
0x1af: {  	_ =	sfence.sel $0x180000  }
0x1b0: {  	[bflag:$0x0] =	sbarrier.arrive $0xFFFF  }
0x1b1: {  	p0 =	sne.s32 s2, $0x0;
	_ =	strace $0x90000047  }
0x1b2: {  	s0 =	sadd.s32 @!p0 $0x100000, s0;
	[bflag:$0x2] =	sbarrier.arrive $0xFFFF  }
0x1b3: {  	[sflag:s0] =	ssyncadd.tile.s32 @!p0 $0x1;
	_ =	shalt  }
.Lfunc_end2:
_tile_overlayer_lowered:
.L_overlay_start_2:
0x1b4: {  	(tag) =	ssettag $0x2  }
0x1b5: {  	s0 =	rddreg [dreg:$0x0];
	s2 =	stileid.u32  }
0x1b6: {  	s1 =	rddreg [dreg:$0x1];
	p0 =	sne.s32 s2, $0x0  }
0x1b7: {  	s3 =	rddreg [dreg:$0x2];
	[bflag:$0x3] =	sbarrier.arrive $0xFFFF;
	s2 =	simm.s32 @!p0 $0x1C01  }
0x1b8: {  	[timem:s3], [sflag:s2] =	dma.local @!p0 [hbm:s0], s1  }
0x1b9: {  	s0 =	simm.s32 @!p0 $0x1  }
0x1ba: {  	_ =	swait.ge @!p0 [sflag:s0], s1  }
0x1bb: {  	s1 =	ssub.s32 @!p0 $0x0, s1;
	[sflag:s0] =	ssyncset.done @!p0 $0x0  }
0x1bc: {  	[sflag:s0] =	ssyncadd.s32 @!p0 s1  }
0x1bd: {  	[bflag:$0x3] =	sbarrier.arrive $0xFFFF  }
0x1be: {  	_ =	shalt  }

</sc_bundles>
